<compile_context>
chip_gen: v7x
topology: tpu7x:2x2x1
jax: 0.10.2.dev20260603
libtpu: 0.0.44.dev20260713+nightly
codegen_flags: <defaults>
</compile_context>

<pallas_src>
import functools
import math

import jax
import jax.numpy as jnp
import numpy as np
from jax import lax
from jax.experimental import pallas as pl
from jax.experimental.pallas import tpu as pltpu
from jax.experimental.pallas import tpu_sc as plsc

_NBUF = 4


def _pe_table(seq_len: int, d_model: int) -> np.ndarray:
    pos = np.arange(seq_len)[:, None].astype(np.float32)
    div = np.exp(
        np.arange(0, d_model, 2).astype(np.float32) * -(math.log(10000.0) / d_model)
    )
    pe = np.zeros((seq_len, d_model), dtype=np.float32)
    pe[:, 0::2] = np.sin(pos * div)
    pe[:, 1::2] = np.cos(pos * div)
    return pe


@functools.cache
def _build_gather_scatter(batch: int, seq: int, vocab: int, d: int):
    n = batch * seq
    nc, ns, lanes = 2, 16, 16
    nw = nc * ns
    assert n % nw == 0 and d % lanes == 0
    per = n // nw
    chunk = seq
    nchunks = per // chunk
    assert nchunks % _NBUF == 0 and chunk <= 128
    nsteps = nchunks // _NBUF
    mesh = plsc.VectorSubcoreMesh(core_axis_name="c", subcore_axis_name="s")

    @functools.partial(
        pl.kernel,
        mesh=mesh,
        out_type=jax.ShapeDtypeStruct((n, d), jnp.float32),
        scratch_types=[
            pltpu.VMEM((nchunks, chunk), jnp.int32),
            pltpu.VMEM((nchunks, chunk), jnp.int32),
        ]
        + [pltpu.VMEM((chunk, d), jnp.float32)] * _NBUF
        + [pltpu.SemaphoreType.DMA] * (2 * _NBUF),
    )
    def gather_scatter(table, idx, oidx, out, idx_v, oidx_v, *bufs):
        gbufs = bufs[:_NBUF]
        gsems = bufs[_NBUF : 2 * _NBUF]
        osems = bufs[2 * _NBUF :]
        wid = lax.axis_index("s") * nc + lax.axis_index("c")
        pltpu.sync_copy(idx.at[wid], idx_v)
        pltpu.sync_copy(oidx.at[wid], oidx_v)

        for b in range(_NBUF):
            pltpu.async_copy(table.at[idx_v.at[b]], gbufs[b], gsems[b])

        def step(t, carry):
            j0 = t * _NBUF
            for b in range(_NBUF):
                pltpu.make_async_copy(
                    table.at[idx_v.at[0]], gbufs[b], gsems[b]
                ).wait()
                pltpu.async_copy(gbufs[b], out.at[oidx_v.at[j0 + b]], osems[b])

            @pl.when(t < nsteps - 1)
            def _():
                for b in range(_NBUF):
                    pltpu.make_async_copy(
                        gbufs[b], out.at[oidx_v.at[0]], osems[b]
                    ).wait()
                    pltpu.async_copy(
                        table.at[idx_v.at[j0 + _NBUF + b]], gbufs[b], gsems[b]
                    )
            return carry

        lax.fori_loop(0, nsteps, step, 0)
        for b in range(_NBUF):
            pltpu.make_async_copy(
                gbufs[b], out.at[oidx_v.at[0]], osems[b]
            ).wait()

    return gather_scatter, nw, nchunks, chunk


@functools.cache
def _build_epilogue(batch: int, seq: int, d: int, bb: int, half: int, first: bool):
    scale = np.float32(np.sqrt(np.float32(d)))
    off = 0 if first else (batch - half) // bb

    if first:

        def body(g_ref, pe_ref, o_ref):
            o_ref[...] = g_ref[...] * scale + pe_ref[...]

        extra_in = []
    else:

        def body(g_ref, pe_ref, prev_ref, o_ref):
            o_ref[...] = g_ref[...] * scale + pe_ref[...]

        extra_in = [pl.BlockSpec(memory_space=pltpu.MemorySpace.HBM)]

    return pl.pallas_call(
        body,
        grid=(half // bb,),
        in_specs=[
            pl.BlockSpec((seq, bb, d), lambda i: (0, i, 0)),
            pl.BlockSpec((seq, bb, d), lambda i: (0, 0, 0)),
        ]
        + extra_in,
        out_specs=pl.BlockSpec((seq, bb, d), lambda i: (0, i + off, 0)),
        out_shape=jax.ShapeDtypeStruct((seq, batch, d), jnp.float32),
        input_output_aliases={} if first else {2: 0},
    )


def kernel(text_ids, emb_table):
    batch, seq = text_ids.shape
    vocab, d = emb_table.shape
    half = batch // 2
    gather_scatter, nw, nchunks, chunk = _build_gather_scatter(half, seq, vocab, d)
    bb = 64
    epi1 = _build_epilogue(batch, seq, d, bb, half, True)
    epi2 = _build_epilogue(batch, seq, d, bb, half, False)
    pe_rep = jnp.asarray(np.tile(_pe_table(seq, d)[:, None, :], (1, bb, 1)))
    ids32 = text_ids.astype(jnp.int32)
    brow = np.arange(half, dtype=np.int32).reshape(nw, nchunks, 1)
    oidx = jnp.asarray(brow + half * np.arange(seq, dtype=np.int32)[None, None, :])
    inters = []
    for h in range(2):
        idx = ids32[h * half : (h + 1) * half].reshape(nw, nchunks, seq)
        inters.append(gather_scatter(emb_table, idx, oidx))
    o1 = epi1(inters[0].reshape(seq, half, d), pe_rep)
    o2 = epi2(inters[1].reshape(seq, half, d), pe_rep, o1)
    return o2.transpose(1, 0, 2)

# --- scband reference (transcript-rebuilt; emitter-appended) ---
"""Pipeline reference for scband-word-emb-30992484008298 (READ-ONLY COPY).

The authoritative reference and input builder live on the scoring server;
editing this copy changes nothing except your own understanding.
"""

import jax, jax.numpy as jnp
import numpy as np

VOCAB = 100000
D_MODEL = 128
BATCH = 1024
SEQ = 50

def _make_pe(seq_len, d_model):
    pos = np.arange(seq_len)[:, None].astype(np.float32)
    div = np.exp(np.arange(0, d_model, 2).astype(np.float32) * -(np.log(10000.0) / d_model))
    pe = np.zeros((seq_len, d_model), dtype=np.float32)
    pe[:, 0::2] = np.sin(pos * div)
    pe[:, 1::2] = np.cos(pos * div)
    return jnp.asarray(pe)

def setup_inputs(seed: int = 0) -> dict:
    key = jax.random.key(seed)
    k1, k2 = jax.random.split(key)
    text_ids = jax.random.randint(k1, (BATCH, SEQ), 0, VOCAB, dtype=jnp.int64 if jax.config.jax_enable_x64 else jnp.int32)
    emb_table = jax.random.normal(k2, (VOCAB, D_MODEL), dtype=jnp.float32) * 0.02
    return {"text_ids": text_ids, "emb_table": emb_table}

def reference(text_ids, emb_table):
    # VocabularyEmbedder: embedding lookup scaled by sqrt(d_model)
    d_model = emb_table.shape[1]
    x = jnp.take(emb_table, text_ids, axis=0) * jnp.sqrt(jnp.float32(d_model))
    # pre_dropout: identity in eval mode
    # PositionalEncoder: add sinusoidal positional encoding (dropout identity in eval)
    pe = _make_pe(text_ids.shape[1], d_model)
    x = x + pe[None, :, :]
    return x

if __name__ == "__main__":
    import jax
    _d = setup_inputs()
    print(jax.jit(kernel)(*tuple(_d.values())))

</pallas_src>

<mosaic_0001>
#map = affine_map<(d0, d1) -> (0, 0)>
#map1 = affine_map<(d0, d1) -> (0, 0, 0)>
module attributes {stable_mosaic.version = 14 : i64} {
  func.func @gather_scatter(%arg0: i32, %arg1: i32, %arg2: memref<100000x128xf32, #tpu.memory_space<hbm>>, %arg3: memref<32x16x50xi32, #tpu.memory_space<hbm>>, %arg4: memref<32x16x50xi32, #tpu.memory_space<hbm>>, %arg5: memref<25600x128xf32, #tpu.memory_space<hbm>>, %arg6: memref<16x50xi32, #tpu.memory_space<vmem>>, %arg7: memref<16x50xi32, #tpu.memory_space<vmem>>, %arg8: memref<50x128xf32, #tpu.memory_space<vmem>>, %arg9: memref<50x128xf32, #tpu.memory_space<vmem>>, %arg10: memref<50x128xf32, #tpu.memory_space<vmem>>, %arg11: memref<50x128xf32, #tpu.memory_space<vmem>>, %arg12: memref<!tpu.dma_semaphore, #tpu.memory_space<semaphore_mem>>, %arg13: memref<!tpu.dma_semaphore, #tpu.memory_space<semaphore_mem>>, %arg14: memref<!tpu.dma_semaphore, #tpu.memory_space<semaphore_mem>>, %arg15: memref<!tpu.dma_semaphore, #tpu.memory_space<semaphore_mem>>, %arg16: memref<!tpu.dma_semaphore, #tpu.memory_space<semaphore_mem>>, %arg17: memref<!tpu.dma_semaphore, #tpu.memory_space<semaphore_mem>>, %arg18: memref<!tpu.dma_semaphore, #tpu.memory_space<semaphore_mem>>, %arg19: memref<!tpu.dma_semaphore, #tpu.memory_space<semaphore_mem>>) attributes {dimension_semantics = [#tpu.dimension_semantics<core_parallel>, #tpu.dimension_semantics<subcore_parallel>], iteration_bounds = array<i64: 2, 16>, scalar_prefetch = 0 : i64, scratch_operands = 14 : i64, tpu.core_type = #tpu.core_type<sc_vector_subcore>, window_params = [{transform_indices = #map}, {transform_indices = #map1}, {transform_indices = #map1}, {transform_indices = #map}]} {
    %mul3A = arith.constant 2 : i32
    %mul3A_0 = arith.muli %arg1, %mul3A : i32
    %add3A = arith.addi %mul3A_0, %arg0 : i32
    "tpu.region"() ({
      %run_scoped3A = tpu.sem_alloc : memref<!tpu.dma_semaphore, #tpu.memory_space<semaphore_mem>>
      %dma_start3A_60 = arith.constant 0 : i32
      %dma_start3A_61 = arith.constant 0 : i32
      %dma_start3A_62 = tpu.memref_slice %arg3[%add3A, %dma_start3A_60, %dma_start3A_61] : memref<32x16x50xi32, #tpu.memory_space<hbm>> -> memref<1x16x50xi32, #tpu.memory_space<hbm>>
      %dma_start3A_63 = tpu.memref_squeeze %dma_start3A_62 : memref<1x16x50xi32, #tpu.memory_space<hbm>> -> memref<16x50xi32, #tpu.memory_space<hbm>>
      %dma_start3A_64 = arith.constant 0 : i32
      %dma_start3A_65 = arith.constant 0 : i32
      %dma_start3A_66 = tpu.memref_slice %arg3[%add3A, %dma_start3A_64, %dma_start3A_65] : memref<32x16x50xi32, #tpu.memory_space<hbm>> -> memref<1x16x50xi32, #tpu.memory_space<hbm>>
      %dma_start3A_67 = tpu.memref_squeeze %dma_start3A_66 : memref<1x16x50xi32, #tpu.memory_space<hbm>> -> memref<16x50xi32, #tpu.memory_space<hbm>>
      tpu.enqueue_dma source(%dma_start3A_67 : memref<16x50xi32, #tpu.memory_space<hbm>>) target(%arg6 : memref<16x50xi32, #tpu.memory_space<vmem>>) target_semaphore(%run_scoped3A : memref<!tpu.dma_semaphore, #tpu.memory_space<semaphore_mem>>)
      %dma_wait3A_68 = arith.constant 0 : i32
      %dma_wait3A_69 = arith.constant 0 : i32
      %dma_wait3A_70 = tpu.memref_slice %arg3[%add3A, %dma_wait3A_68, %dma_wait3A_69] : memref<32x16x50xi32, #tpu.memory_space<hbm>> -> memref<1x16x50xi32, #tpu.memory_space<hbm>>
      %dma_wait3A_71 = tpu.memref_squeeze %dma_wait3A_70 : memref<1x16x50xi32, #tpu.memory_space<hbm>> -> memref<16x50xi32, #tpu.memory_space<hbm>>
      %dma_wait3A_72 = arith.constant 0 : i32
      %dma_wait3A_73 = arith.constant 0 : i32
      %dma_wait3A_74 = tpu.memref_slice %arg3[%add3A, %dma_wait3A_72, %dma_wait3A_73] : memref<32x16x50xi32, #tpu.memory_space<hbm>> -> memref<1x16x50xi32, #tpu.memory_space<hbm>>
      %dma_wait3A_75 = tpu.memref_squeeze %dma_wait3A_74 : memref<1x16x50xi32, #tpu.memory_space<hbm>> -> memref<16x50xi32, #tpu.memory_space<hbm>>
      tpu.wait_dma2 semaphore(%run_scoped3A : memref<!tpu.dma_semaphore, #tpu.memory_space<semaphore_mem>>) src(%dma_wait3A_75 : memref<16x50xi32, #tpu.memory_space<hbm>>) dst(%arg6 : memref<16x50xi32, #tpu.memory_space<vmem>>)
      tpu.yield
    }) : () -> ()
    "tpu.region"() ({
      %run_scoped3A = tpu.sem_alloc : memref<!tpu.dma_semaphore, #tpu.memory_space<semaphore_mem>>
      %dma_start3A_60 = arith.constant 0 : i32
      %dma_start3A_61 = arith.constant 0 : i32
      %dma_start3A_62 = tpu.memref_slice %arg4[%add3A, %dma_start3A_60, %dma_start3A_61] : memref<32x16x50xi32, #tpu.memory_space<hbm>> -> memref<1x16x50xi32, #tpu.memory_space<hbm>>
      %dma_start3A_63 = tpu.memref_squeeze %dma_start3A_62 : memref<1x16x50xi32, #tpu.memory_space<hbm>> -> memref<16x50xi32, #tpu.memory_space<hbm>>
      %dma_start3A_64 = arith.constant 0 : i32
      %dma_start3A_65 = arith.constant 0 : i32
      %dma_start3A_66 = tpu.memref_slice %arg4[%add3A, %dma_start3A_64, %dma_start3A_65] : memref<32x16x50xi32, #tpu.memory_space<hbm>> -> memref<1x16x50xi32, #tpu.memory_space<hbm>>
      %dma_start3A_67 = tpu.memref_squeeze %dma_start3A_66 : memref<1x16x50xi32, #tpu.memory_space<hbm>> -> memref<16x50xi32, #tpu.memory_space<hbm>>
      tpu.enqueue_dma source(%dma_start3A_67 : memref<16x50xi32, #tpu.memory_space<hbm>>) target(%arg7 : memref<16x50xi32, #tpu.memory_space<vmem>>) target_semaphore(%run_scoped3A : memref<!tpu.dma_semaphore, #tpu.memory_space<semaphore_mem>>)
      %dma_wait3A_68 = arith.constant 0 : i32
      %dma_wait3A_69 = arith.constant 0 : i32
      %dma_wait3A_70 = tpu.memref_slice %arg4[%add3A, %dma_wait3A_68, %dma_wait3A_69] : memref<32x16x50xi32, #tpu.memory_space<hbm>> -> memref<1x16x50xi32, #tpu.memory_space<hbm>>
      %dma_wait3A_71 = tpu.memref_squeeze %dma_wait3A_70 : memref<1x16x50xi32, #tpu.memory_space<hbm>> -> memref<16x50xi32, #tpu.memory_space<hbm>>
      %dma_wait3A_72 = arith.constant 0 : i32
      %dma_wait3A_73 = arith.constant 0 : i32
      %dma_wait3A_74 = tpu.memref_slice %arg4[%add3A, %dma_wait3A_72, %dma_wait3A_73] : memref<32x16x50xi32, #tpu.memory_space<hbm>> -> memref<1x16x50xi32, #tpu.memory_space<hbm>>
      %dma_wait3A_75 = tpu.memref_squeeze %dma_wait3A_74 : memref<1x16x50xi32, #tpu.memory_space<hbm>> -> memref<16x50xi32, #tpu.memory_space<hbm>>
      tpu.wait_dma2 semaphore(%run_scoped3A : memref<!tpu.dma_semaphore, #tpu.memory_space<semaphore_mem>>) src(%dma_wait3A_75 : memref<16x50xi32, #tpu.memory_space<hbm>>) dst(%arg7 : memref<16x50xi32, #tpu.memory_space<vmem>>)
      tpu.yield
    }) : () -> ()
    %dma_start3A = arith.constant 0 : i32
    %dma_start3A_1 = arith.constant 0 : i32
    %dma_start3A_2 = tpu.memref_slice %arg6[%dma_start3A, %dma_start3A_1] : memref<16x50xi32, #tpu.memory_space<vmem>> -> memref<1x50xi32, #tpu.memory_space<vmem>>
    %dma_start3A_3 = tpu.memref_squeeze %dma_start3A_2 : memref<1x50xi32, #tpu.memory_space<vmem>> -> memref<50xi32, #tpu.memory_space<vmem>>
    %dma_start3A_4 = arith.constant 0 : i32
    %dma_start3A_5 = arith.constant 0 : i32
    %dma_start3A_6 = tpu.memref_slice %arg2[%dma_start3A_4, %dma_start3A_5] : memref<100000x128xf32, #tpu.memory_space<hbm>> -> memref<100000x128xf32, #tpu.memory_space<hbm>>
    tpu.enqueue_indirect_dma source(%dma_start3A_6 : memref<100000x128xf32, #tpu.memory_space<hbm>>) target(%arg8 : memref<50x128xf32, #tpu.memory_space<vmem>>) offsets(%dma_start3A_3 : memref<50xi32, #tpu.memory_space<vmem>>) semaphore(%arg12 : memref<!tpu.dma_semaphore, #tpu.memory_space<semaphore_mem>>)
    %dma_start3A_7 = arith.constant 1 : i32
    %dma_start3A_8 = arith.constant 0 : i32
    %dma_start3A_9 = tpu.memref_slice %arg6[%dma_start3A_7, %dma_start3A_8] : memref<16x50xi32, #tpu.memory_space<vmem>> -> memref<1x50xi32, #tpu.memory_space<vmem>>
    %dma_start3A_10 = tpu.memref_squeeze %dma_start3A_9 : memref<1x50xi32, #tpu.memory_space<vmem>> -> memref<50xi32, #tpu.memory_space<vmem>>
    %dma_start3A_11 = arith.constant 0 : i32
    %dma_start3A_12 = arith.constant 0 : i32
    %dma_start3A_13 = tpu.memref_slice %arg2[%dma_start3A_11, %dma_start3A_12] : memref<100000x128xf32, #tpu.memory_space<hbm>> -> memref<100000x128xf32, #tpu.memory_space<hbm>>
    tpu.enqueue_indirect_dma source(%dma_start3A_13 : memref<100000x128xf32, #tpu.memory_space<hbm>>) target(%arg9 : memref<50x128xf32, #tpu.memory_space<vmem>>) offsets(%dma_start3A_10 : memref<50xi32, #tpu.memory_space<vmem>>) semaphore(%arg13 : memref<!tpu.dma_semaphore, #tpu.memory_space<semaphore_mem>>)
    %dma_start3A_14 = arith.constant 2 : i32
    %dma_start3A_15 = arith.constant 0 : i32
    %dma_start3A_16 = tpu.memref_slice %arg6[%dma_start3A_14, %dma_start3A_15] : memref<16x50xi32, #tpu.memory_space<vmem>> -> memref<1x50xi32, #tpu.memory_space<vmem>>
    %dma_start3A_17 = tpu.memref_squeeze %dma_start3A_16 : memref<1x50xi32, #tpu.memory_space<vmem>> -> memref<50xi32, #tpu.memory_space<vmem>>
    %dma_start3A_18 = arith.constant 0 : i32
    %dma_start3A_19 = arith.constant 0 : i32
    %dma_start3A_20 = tpu.memref_slice %arg2[%dma_start3A_18, %dma_start3A_19] : memref<100000x128xf32, #tpu.memory_space<hbm>> -> memref<100000x128xf32, #tpu.memory_space<hbm>>
    tpu.enqueue_indirect_dma source(%dma_start3A_20 : memref<100000x128xf32, #tpu.memory_space<hbm>>) target(%arg10 : memref<50x128xf32, #tpu.memory_space<vmem>>) offsets(%dma_start3A_17 : memref<50xi32, #tpu.memory_space<vmem>>) semaphore(%arg14 : memref<!tpu.dma_semaphore, #tpu.memory_space<semaphore_mem>>)
    %dma_start3A_21 = arith.constant 3 : i32
    %dma_start3A_22 = arith.constant 0 : i32
    %dma_start3A_23 = tpu.memref_slice %arg6[%dma_start3A_21, %dma_start3A_22] : memref<16x50xi32, #tpu.memory_space<vmem>> -> memref<1x50xi32, #tpu.memory_space<vmem>>
    %dma_start3A_24 = tpu.memref_squeeze %dma_start3A_23 : memref<1x50xi32, #tpu.memory_space<vmem>> -> memref<50xi32, #tpu.memory_space<vmem>>
    %dma_start3A_25 = arith.constant 0 : i32
    %dma_start3A_26 = arith.constant 0 : i32
    %dma_start3A_27 = tpu.memref_slice %arg2[%dma_start3A_25, %dma_start3A_26] : memref<100000x128xf32, #tpu.memory_space<hbm>> -> memref<100000x128xf32, #tpu.memory_space<hbm>>
    tpu.enqueue_indirect_dma source(%dma_start3A_27 : memref<100000x128xf32, #tpu.memory_space<hbm>>) target(%arg11 : memref<50x128xf32, #tpu.memory_space<vmem>>) offsets(%dma_start3A_24 : memref<50xi32, #tpu.memory_space<vmem>>) semaphore(%arg15 : memref<!tpu.dma_semaphore, #tpu.memory_space<semaphore_mem>>)
    %scan3A = arith.constant 0 : i32
    %scan3A_28 = arith.constant 0 : i32
    %scan3A_29 = arith.constant 4 : i32
    %scan3A_30 = arith.addi %scan3A_28, %scan3A_29 : i32
    %scan3A_31 = arith.constant 1 : i32
    scf.for %scan3A_60 = %scan3A_28 to %scan3A_30 step %scan3A_31  : i32 {
      %mul3A_61 = arith.constant 4 : i32
      %mul3A_62 = arith.muli %scan3A_60, %mul3A_61 : i32
      %dma_wait3A_63 = arith.constant 0 : i32
      %dma_wait3A_64 = arith.constant 0 : i32
      %dma_wait3A_65 = tpu.memref_slice %arg6[%dma_wait3A_63, %dma_wait3A_64] : memref<16x50xi32, #tpu.memory_space<vmem>> -> memref<1x50xi32, #tpu.memory_space<vmem>>
      %dma_wait3A_66 = tpu.memref_squeeze %dma_wait3A_65 : memref<1x50xi32, #tpu.memory_space<vmem>> -> memref<50xi32, #tpu.memory_space<vmem>>
      %dma_wait3A_67 = arith.constant 0 : i32
      %dma_wait3A_68 = arith.constant 0 : i32
      %dma_wait3A_69 = tpu.memref_slice %arg2[%dma_wait3A_67, %dma_wait3A_68] : memref<100000x128xf32, #tpu.memory_space<hbm>> -> memref<100000x128xf32, #tpu.memory_space<hbm>>
      tpu.wait_indirect_dma semaphore(%arg12 : memref<!tpu.dma_semaphore, #tpu.memory_space<semaphore_mem>>) src(%dma_wait3A_69 : memref<100000x128xf32, #tpu.memory_space<hbm>>) dst(%arg8 : memref<50x128xf32, #tpu.memory_space<vmem>>)
      %add3A_70 = arith.constant 0 : i32
      %add3A_71 = arith.addi %mul3A_62, %add3A_70 : i32
      %dma_start3A_72 = arith.constant 0 : i32
      %dma_start3A_73 = tpu.memref_slice %arg7[%add3A_71, %dma_start3A_72] : memref<16x50xi32, #tpu.memory_space<vmem>> -> memref<1x50xi32, #tpu.memory_space<vmem>>
      %dma_start3A_74 = tpu.memref_squeeze %dma_start3A_73 : memref<1x50xi32, #tpu.memory_space<vmem>> -> memref<50xi32, #tpu.memory_space<vmem>>
      %dma_start3A_75 = arith.constant 0 : i32
      %dma_start3A_76 = arith.constant 0 : i32
      %dma_start3A_77 = tpu.memref_slice %arg5[%dma_start3A_75, %dma_start3A_76] : memref<25600x128xf32, #tpu.memory_space<hbm>> -> memref<25600x128xf32, #tpu.memory_space<hbm>>
      tpu.enqueue_indirect_dma source(%arg8 : memref<50x128xf32, #tpu.memory_space<vmem>>) target(%dma_start3A_77 : memref<25600x128xf32, #tpu.memory_space<hbm>>) offsets(%dma_start3A_74 : memref<50xi32, #tpu.memory_space<vmem>>) semaphore(%arg16 : memref<!tpu.dma_semaphore, #tpu.memory_space<semaphore_mem>>)
      %dma_wait3A_78 = arith.constant 0 : i32
      %dma_wait3A_79 = arith.constant 0 : i32
      %dma_wait3A_80 = tpu.memref_slice %arg6[%dma_wait3A_78, %dma_wait3A_79] : memref<16x50xi32, #tpu.memory_space<vmem>> -> memref<1x50xi32, #tpu.memory_space<vmem>>
      %dma_wait3A_81 = tpu.memref_squeeze %dma_wait3A_80 : memref<1x50xi32, #tpu.memory_space<vmem>> -> memref<50xi32, #tpu.memory_space<vmem>>
      %dma_wait3A_82 = arith.constant 0 : i32
      %dma_wait3A_83 = arith.constant 0 : i32
      %dma_wait3A_84 = tpu.memref_slice %arg2[%dma_wait3A_82, %dma_wait3A_83] : memref<100000x128xf32, #tpu.memory_space<hbm>> -> memref<100000x128xf32, #tpu.memory_space<hbm>>
      tpu.wait_indirect_dma semaphore(%arg13 : memref<!tpu.dma_semaphore, #tpu.memory_space<semaphore_mem>>) src(%dma_wait3A_84 : memref<100000x128xf32, #tpu.memory_space<hbm>>) dst(%arg9 : memref<50x128xf32, #tpu.memory_space<vmem>>)
      %add3A_85 = arith.constant 1 : i32
      %add3A_86 = arith.addi %mul3A_62, %add3A_85 : i32
      %dma_start3A_87 = arith.constant 0 : i32
      %dma_start3A_88 = tpu.memref_slice %arg7[%add3A_86, %dma_start3A_87] : memref<16x50xi32, #tpu.memory_space<vmem>> -> memref<1x50xi32, #tpu.memory_space<vmem>>
      %dma_start3A_89 = tpu.memref_squeeze %dma_start3A_88 : memref<1x50xi32, #tpu.memory_space<vmem>> -> memref<50xi32, #tpu.memory_space<vmem>>
      %dma_start3A_90 = arith.constant 0 : i32
      %dma_start3A_91 = arith.constant 0 : i32
      %dma_start3A_92 = tpu.memref_slice %arg5[%dma_start3A_90, %dma_start3A_91] : memref<25600x128xf32, #tpu.memory_space<hbm>> -> memref<25600x128xf32, #tpu.memory_space<hbm>>
      tpu.enqueue_indirect_dma source(%arg9 : memref<50x128xf32, #tpu.memory_space<vmem>>) target(%dma_start3A_92 : memref<25600x128xf32, #tpu.memory_space<hbm>>) offsets(%dma_start3A_89 : memref<50xi32, #tpu.memory_space<vmem>>) semaphore(%arg17 : memref<!tpu.dma_semaphore, #tpu.memory_space<semaphore_mem>>)
      %dma_wait3A_93 = arith.constant 0 : i32
      %dma_wait3A_94 = arith.constant 0 : i32
      %dma_wait3A_95 = tpu.memref_slice %arg6[%dma_wait3A_93, %dma_wait3A_94] : memref<16x50xi32, #tpu.memory_space<vmem>> -> memref<1x50xi32, #tpu.memory_space<vmem>>
      %dma_wait3A_96 = tpu.memref_squeeze %dma_wait3A_95 : memref<1x50xi32, #tpu.memory_space<vmem>> -> memref<50xi32, #tpu.memory_space<vmem>>
      %dma_wait3A_97 = arith.constant 0 : i32
      %dma_wait3A_98 = arith.constant 0 : i32
      %dma_wait3A_99 = tpu.memref_slice %arg2[%dma_wait3A_97, %dma_wait3A_98] : memref<100000x128xf32, #tpu.memory_space<hbm>> -> memref<100000x128xf32, #tpu.memory_space<hbm>>
      tpu.wait_indirect_dma semaphore(%arg14 : memref<!tpu.dma_semaphore, #tpu.memory_space<semaphore_mem>>) src(%dma_wait3A_99 : memref<100000x128xf32, #tpu.memory_space<hbm>>) dst(%arg10 : memref<50x128xf32, #tpu.memory_space<vmem>>)
      %add3A_100 = arith.constant 2 : i32
      %add3A_101 = arith.addi %mul3A_62, %add3A_100 : i32
      %dma_start3A_102 = arith.constant 0 : i32
      %dma_start3A_103 = tpu.memref_slice %arg7[%add3A_101, %dma_start3A_102] : memref<16x50xi32, #tpu.memory_space<vmem>> -> memref<1x50xi32, #tpu.memory_space<vmem>>
      %dma_start3A_104 = tpu.memref_squeeze %dma_start3A_103 : memref<1x50xi32, #tpu.memory_space<vmem>> -> memref<50xi32, #tpu.memory_space<vmem>>
      %dma_start3A_105 = arith.constant 0 : i32
      %dma_start3A_106 = arith.constant 0 : i32
      %dma_start3A_107 = tpu.memref_slice %arg5[%dma_start3A_105, %dma_start3A_106] : memref<25600x128xf32, #tpu.memory_space<hbm>> -> memref<25600x128xf32, #tpu.memory_space<hbm>>
      tpu.enqueue_indirect_dma source(%arg10 : memref<50x128xf32, #tpu.memory_space<vmem>>) target(%dma_start3A_107 : memref<25600x128xf32, #tpu.memory_space<hbm>>) offsets(%dma_start3A_104 : memref<50xi32, #tpu.memory_space<vmem>>) semaphore(%arg18 : memref<!tpu.dma_semaphore, #tpu.memory_space<semaphore_mem>>)
      %dma_wait3A_108 = arith.constant 0 : i32
      %dma_wait3A_109 = arith.constant 0 : i32
      %dma_wait3A_110 = tpu.memref_slice %arg6[%dma_wait3A_108, %dma_wait3A_109] : memref<16x50xi32, #tpu.memory_space<vmem>> -> memref<1x50xi32, #tpu.memory_space<vmem>>
      %dma_wait3A_111 = tpu.memref_squeeze %dma_wait3A_110 : memref<1x50xi32, #tpu.memory_space<vmem>> -> memref<50xi32, #tpu.memory_space<vmem>>
      %dma_wait3A_112 = arith.constant 0 : i32
      %dma_wait3A_113 = arith.constant 0 : i32
      %dma_wait3A_114 = tpu.memref_slice %arg2[%dma_wait3A_112, %dma_wait3A_113] : memref<100000x128xf32, #tpu.memory_space<hbm>> -> memref<100000x128xf32, #tpu.memory_space<hbm>>
      tpu.wait_indirect_dma semaphore(%arg15 : memref<!tpu.dma_semaphore, #tpu.memory_space<semaphore_mem>>) src(%dma_wait3A_114 : memref<100000x128xf32, #tpu.memory_space<hbm>>) dst(%arg11 : memref<50x128xf32, #tpu.memory_space<vmem>>)
      %add3A_115 = arith.constant 3 : i32
      %add3A_116 = arith.addi %mul3A_62, %add3A_115 : i32
      %dma_start3A_117 = arith.constant 0 : i32
      %dma_start3A_118 = tpu.memref_slice %arg7[%add3A_116, %dma_start3A_117] : memref<16x50xi32, #tpu.memory_space<vmem>> -> memref<1x50xi32, #tpu.memory_space<vmem>>
      %dma_start3A_119 = tpu.memref_squeeze %dma_start3A_118 : memref<1x50xi32, #tpu.memory_space<vmem>> -> memref<50xi32, #tpu.memory_space<vmem>>
      %dma_start3A_120 = arith.constant 0 : i32
      %dma_start3A_121 = arith.constant 0 : i32
      %dma_start3A_122 = tpu.memref_slice %arg5[%dma_start3A_120, %dma_start3A_121] : memref<25600x128xf32, #tpu.memory_space<hbm>> -> memref<25600x128xf32, #tpu.memory_space<hbm>>
      tpu.enqueue_indirect_dma source(%arg11 : memref<50x128xf32, #tpu.memory_space<vmem>>) target(%dma_start3A_122 : memref<25600x128xf32, #tpu.memory_space<hbm>>) offsets(%dma_start3A_119 : memref<50xi32, #tpu.memory_space<vmem>>) semaphore(%arg19 : memref<!tpu.dma_semaphore, #tpu.memory_space<semaphore_mem>>)
      %lt3A = arith.constant 3 : i32
      %lt3A_123 = arith.cmpi slt, %scan3A_60, %lt3A : i32
      %convert_element_type3A = arith.extui %lt3A_123 : i1 to i32
      %cond3A = arith.constant 0 : i32
      %cond3A_124 = arith.cmpi ne, %convert_element_type3A, %cond3A : i32
      scf.if %cond3A_124 {
        %dma_wait3A_125 = arith.constant 0 : i32
        %dma_wait3A_126 = arith.constant 0 : i32
        %dma_wait3A_127 = tpu.memref_slice %arg7[%dma_wait3A_125, %dma_wait3A_126] : memref<16x50xi32, #tpu.memory_space<vmem>> -> memref<1x50xi32, #tpu.memory_space<vmem>>
        %dma_wait3A_128 = tpu.memref_squeeze %dma_wait3A_127 : memref<1x50xi32, #tpu.memory_space<vmem>> -> memref<50xi32, #tpu.memory_space<vmem>>
        %dma_wait3A_129 = arith.constant 0 : i32
        %dma_wait3A_130 = arith.constant 0 : i32
        %dma_wait3A_131 = tpu.memref_slice %arg5[%dma_wait3A_129, %dma_wait3A_130] : memref<25600x128xf32, #tpu.memory_space<hbm>> -> memref<25600x128xf32, #tpu.memory_space<hbm>>
        tpu.wait_indirect_dma semaphore(%arg16 : memref<!tpu.dma_semaphore, #tpu.memory_space<semaphore_mem>>) src(%arg8 : memref<50x128xf32, #tpu.memory_space<vmem>>) dst(%dma_wait3A_131 : memref<25600x128xf32, #tpu.memory_space<hbm>>)
        %add3A_132 = arith.constant 4 : i32
        %add3A_133 = arith.addi %mul3A_62, %add3A_132 : i32
        %add3A_134 = arith.constant 0 : i32
        %add3A_135 = arith.addi %add3A_133, %add3A_134 : i32
        %dma_start3A_136 = arith.constant 0 : i32
        %dma_start3A_137 = tpu.memref_slice %arg6[%add3A_135, %dma_start3A_136] : memref<16x50xi32, #tpu.memory_space<vmem>> -> memref<1x50xi32, #tpu.memory_space<vmem>>
        %dma_start3A_138 = tpu.memref_squeeze %dma_start3A_137 : memref<1x50xi32, #tpu.memory_space<vmem>> -> memref<50xi32, #tpu.memory_space<vmem>>
        %dma_start3A_139 = arith.constant 0 : i32
        %dma_start3A_140 = arith.constant 0 : i32
        %dma_start3A_141 = tpu.memref_slice %arg2[%dma_start3A_139, %dma_start3A_140] : memref<100000x128xf32, #tpu.memory_space<hbm>> -> memref<100000x128xf32, #tpu.memory_space<hbm>>
        tpu.enqueue_indirect_dma source(%dma_start3A_141 : memref<100000x128xf32, #tpu.memory_space<hbm>>) target(%arg8 : memref<50x128xf32, #tpu.memory_space<vmem>>) offsets(%dma_start3A_138 : memref<50xi32, #tpu.memory_space<vmem>>) semaphore(%arg12 : memref<!tpu.dma_semaphore, #tpu.memory_space<semaphore_mem>>)
        %dma_wait3A_142 = arith.constant 0 : i32
        %dma_wait3A_143 = arith.constant 0 : i32
        %dma_wait3A_144 = tpu.memref_slice %arg7[%dma_wait3A_142, %dma_wait3A_143] : memref<16x50xi32, #tpu.memory_space<vmem>> -> memref<1x50xi32, #tpu.memory_space<vmem>>
        %dma_wait3A_145 = tpu.memref_squeeze %dma_wait3A_144 : memref<1x50xi32, #tpu.memory_space<vmem>> -> memref<50xi32, #tpu.memory_space<vmem>>
        %dma_wait3A_146 = arith.constant 0 : i32
        %dma_wait3A_147 = arith.constant 0 : i32
        %dma_wait3A_148 = tpu.memref_slice %arg5[%dma_wait3A_146, %dma_wait3A_147] : memref<25600x128xf32, #tpu.memory_space<hbm>> -> memref<25600x128xf32, #tpu.memory_space<hbm>>
        tpu.wait_indirect_dma semaphore(%arg17 : memref<!tpu.dma_semaphore, #tpu.memory_space<semaphore_mem>>) src(%arg9 : memref<50x128xf32, #tpu.memory_space<vmem>>) dst(%dma_wait3A_148 : memref<25600x128xf32, #tpu.memory_space<hbm>>)
        %add3A_149 = arith.constant 4 : i32
        %add3A_150 = arith.addi %mul3A_62, %add3A_149 : i32
        %add3A_151 = arith.constant 1 : i32
        %add3A_152 = arith.addi %add3A_150, %add3A_151 : i32
        %dma_start3A_153 = arith.constant 0 : i32
        %dma_start3A_154 = tpu.memref_slice %arg6[%add3A_152, %dma_start3A_153] : memref<16x50xi32, #tpu.memory_space<vmem>> -> memref<1x50xi32, #tpu.memory_space<vmem>>
        %dma_start3A_155 = tpu.memref_squeeze %dma_start3A_154 : memref<1x50xi32, #tpu.memory_space<vmem>> -> memref<50xi32, #tpu.memory_space<vmem>>
        %dma_start3A_156 = arith.constant 0 : i32
        %dma_start3A_157 = arith.constant 0 : i32
        %dma_start3A_158 = tpu.memref_slice %arg2[%dma_start3A_156, %dma_start3A_157] : memref<100000x128xf32, #tpu.memory_space<hbm>> -> memref<100000x128xf32, #tpu.memory_space<hbm>>
        tpu.enqueue_indirect_dma source(%dma_start3A_158 : memref<100000x128xf32, #tpu.memory_space<hbm>>) target(%arg9 : memref<50x128xf32, #tpu.memory_space<vmem>>) offsets(%dma_start3A_155 : memref<50xi32, #tpu.memory_space<vmem>>) semaphore(%arg13 : memref<!tpu.dma_semaphore, #tpu.memory_space<semaphore_mem>>)
        %dma_wait3A_159 = arith.constant 0 : i32
        %dma_wait3A_160 = arith.constant 0 : i32
        %dma_wait3A_161 = tpu.memref_slice %arg7[%dma_wait3A_159, %dma_wait3A_160] : memref<16x50xi32, #tpu.memory_space<vmem>> -> memref<1x50xi32, #tpu.memory_space<vmem>>
        %dma_wait3A_162 = tpu.memref_squeeze %dma_wait3A_161 : memref<1x50xi32, #tpu.memory_space<vmem>> -> memref<50xi32, #tpu.memory_space<vmem>>
        %dma_wait3A_163 = arith.constant 0 : i32
        %dma_wait3A_164 = arith.constant 0 : i32
        %dma_wait3A_165 = tpu.memref_slice %arg5[%dma_wait3A_163, %dma_wait3A_164] : memref<25600x128xf32, #tpu.memory_space<hbm>> -> memref<25600x128xf32, #tpu.memory_space<hbm>>
        tpu.wait_indirect_dma semaphore(%arg18 : memref<!tpu.dma_semaphore, #tpu.memory_space<semaphore_mem>>) src(%arg10 : memref<50x128xf32, #tpu.memory_space<vmem>>) dst(%dma_wait3A_165 : memref<25600x128xf32, #tpu.memory_space<hbm>>)
        %add3A_166 = arith.constant 4 : i32
        %add3A_167 = arith.addi %mul3A_62, %add3A_166 : i32
        %add3A_168 = arith.constant 2 : i32
        %add3A_169 = arith.addi %add3A_167, %add3A_168 : i32
        %dma_start3A_170 = arith.constant 0 : i32
        %dma_start3A_171 = tpu.memref_slice %arg6[%add3A_169, %dma_start3A_170] : memref<16x50xi32, #tpu.memory_space<vmem>> -> memref<1x50xi32, #tpu.memory_space<vmem>>
        %dma_start3A_172 = tpu.memref_squeeze %dma_start3A_171 : memref<1x50xi32, #tpu.memory_space<vmem>> -> memref<50xi32, #tpu.memory_space<vmem>>
        %dma_start3A_173 = arith.constant 0 : i32
        %dma_start3A_174 = arith.constant 0 : i32
        %dma_start3A_175 = tpu.memref_slice %arg2[%dma_start3A_173, %dma_start3A_174] : memref<100000x128xf32, #tpu.memory_space<hbm>> -> memref<100000x128xf32, #tpu.memory_space<hbm>>
        tpu.enqueue_indirect_dma source(%dma_start3A_175 : memref<100000x128xf32, #tpu.memory_space<hbm>>) target(%arg10 : memref<50x128xf32, #tpu.memory_space<vmem>>) offsets(%dma_start3A_172 : memref<50xi32, #tpu.memory_space<vmem>>) semaphore(%arg14 : memref<!tpu.dma_semaphore, #tpu.memory_space<semaphore_mem>>)
        %dma_wait3A_176 = arith.constant 0 : i32
        %dma_wait3A_177 = arith.constant 0 : i32
        %dma_wait3A_178 = tpu.memref_slice %arg7[%dma_wait3A_176, %dma_wait3A_177] : memref<16x50xi32, #tpu.memory_space<vmem>> -> memref<1x50xi32, #tpu.memory_space<vmem>>
        %dma_wait3A_179 = tpu.memref_squeeze %dma_wait3A_178 : memref<1x50xi32, #tpu.memory_space<vmem>> -> memref<50xi32, #tpu.memory_space<vmem>>
        %dma_wait3A_180 = arith.constant 0 : i32
        %dma_wait3A_181 = arith.constant 0 : i32
        %dma_wait3A_182 = tpu.memref_slice %arg5[%dma_wait3A_180, %dma_wait3A_181] : memref<25600x128xf32, #tpu.memory_space<hbm>> -> memref<25600x128xf32, #tpu.memory_space<hbm>>
        tpu.wait_indirect_dma semaphore(%arg19 : memref<!tpu.dma_semaphore, #tpu.memory_space<semaphore_mem>>) src(%arg11 : memref<50x128xf32, #tpu.memory_space<vmem>>) dst(%dma_wait3A_182 : memref<25600x128xf32, #tpu.memory_space<hbm>>)
        %add3A_183 = arith.constant 4 : i32
        %add3A_184 = arith.addi %mul3A_62, %add3A_183 : i32
        %add3A_185 = arith.constant 3 : i32
        %add3A_186 = arith.addi %add3A_184, %add3A_185 : i32
        %dma_start3A_187 = arith.constant 0 : i32
        %dma_start3A_188 = tpu.memref_slice %arg6[%add3A_186, %dma_start3A_187] : memref<16x50xi32, #tpu.memory_space<vmem>> -> memref<1x50xi32, #tpu.memory_space<vmem>>
        %dma_start3A_189 = tpu.memref_squeeze %dma_start3A_188 : memref<1x50xi32, #tpu.memory_space<vmem>> -> memref<50xi32, #tpu.memory_space<vmem>>
        %dma_start3A_190 = arith.constant 0 : i32
        %dma_start3A_191 = arith.constant 0 : i32
        %dma_start3A_192 = tpu.memref_slice %arg2[%dma_start3A_190, %dma_start3A_191] : memref<100000x128xf32, #tpu.memory_space<hbm>> -> memref<100000x128xf32, #tpu.memory_space<hbm>>
        tpu.enqueue_indirect_dma source(%dma_start3A_192 : memref<100000x128xf32, #tpu.memory_space<hbm>>) target(%arg11 : memref<50x128xf32, #tpu.memory_space<vmem>>) offsets(%dma_start3A_189 : memref<50xi32, #tpu.memory_space<vmem>>) semaphore(%arg15 : memref<!tpu.dma_semaphore, #tpu.memory_space<semaphore_mem>>)
      } else {
      }
    }
    %scan3A_32 = arith.constant 4 : i32
    %dma_wait3A = arith.constant 0 : i32
    %dma_wait3A_33 = arith.constant 0 : i32
    %dma_wait3A_34 = tpu.memref_slice %arg7[%dma_wait3A, %dma_wait3A_33] : memref<16x50xi32, #tpu.memory_space<vmem>> -> memref<1x50xi32, #tpu.memory_space<vmem>>
    %dma_wait3A_35 = tpu.memref_squeeze %dma_wait3A_34 : memref<1x50xi32, #tpu.memory_space<vmem>> -> memref<50xi32, #tpu.memory_space<vmem>>
    %dma_wait3A_36 = arith.constant 0 : i32
    %dma_wait3A_37 = arith.constant 0 : i32
    %dma_wait3A_38 = tpu.memref_slice %arg5[%dma_wait3A_36, %dma_wait3A_37] : memref<25600x128xf32, #tpu.memory_space<hbm>> -> memref<25600x128xf32, #tpu.memory_space<hbm>>
    tpu.wait_indirect_dma semaphore(%arg16 : memref<!tpu.dma_semaphore, #tpu.memory_space<semaphore_mem>>) src(%arg8 : memref<50x128xf32, #tpu.memory_space<vmem>>) dst(%dma_wait3A_38 : memref<25600x128xf32, #tpu.memory_space<hbm>>)
    %dma_wait3A_39 = arith.constant 0 : i32
    %dma_wait3A_40 = arith.constant 0 : i32
    %dma_wait3A_41 = tpu.memref_slice %arg7[%dma_wait3A_39, %dma_wait3A_40] : memref<16x50xi32, #tpu.memory_space<vmem>> -> memref<1x50xi32, #tpu.memory_space<vmem>>
    %dma_wait3A_42 = tpu.memref_squeeze %dma_wait3A_41 : memref<1x50xi32, #tpu.memory_space<vmem>> -> memref<50xi32, #tpu.memory_space<vmem>>
    %dma_wait3A_43 = arith.constant 0 : i32
    %dma_wait3A_44 = arith.constant 0 : i32
    %dma_wait3A_45 = tpu.memref_slice %arg5[%dma_wait3A_43, %dma_wait3A_44] : memref<25600x128xf32, #tpu.memory_space<hbm>> -> memref<25600x128xf32, #tpu.memory_space<hbm>>
    tpu.wait_indirect_dma semaphore(%arg17 : memref<!tpu.dma_semaphore, #tpu.memory_space<semaphore_mem>>) src(%arg9 : memref<50x128xf32, #tpu.memory_space<vmem>>) dst(%dma_wait3A_45 : memref<25600x128xf32, #tpu.memory_space<hbm>>)
    %dma_wait3A_46 = arith.constant 0 : i32
    %dma_wait3A_47 = arith.constant 0 : i32
    %dma_wait3A_48 = tpu.memref_slice %arg7[%dma_wait3A_46, %dma_wait3A_47] : memref<16x50xi32, #tpu.memory_space<vmem>> -> memref<1x50xi32, #tpu.memory_space<vmem>>
    %dma_wait3A_49 = tpu.memref_squeeze %dma_wait3A_48 : memref<1x50xi32, #tpu.memory_space<vmem>> -> memref<50xi32, #tpu.memory_space<vmem>>
    %dma_wait3A_50 = arith.constant 0 : i32
    %dma_wait3A_51 = arith.constant 0 : i32
    %dma_wait3A_52 = tpu.memref_slice %arg5[%dma_wait3A_50, %dma_wait3A_51] : memref<25600x128xf32, #tpu.memory_space<hbm>> -> memref<25600x128xf32, #tpu.memory_space<hbm>>
    tpu.wait_indirect_dma semaphore(%arg18 : memref<!tpu.dma_semaphore, #tpu.memory_space<semaphore_mem>>) src(%arg10 : memref<50x128xf32, #tpu.memory_space<vmem>>) dst(%dma_wait3A_52 : memref<25600x128xf32, #tpu.memory_space<hbm>>)
    %dma_wait3A_53 = arith.constant 0 : i32
    %dma_wait3A_54 = arith.constant 0 : i32
    %dma_wait3A_55 = tpu.memref_slice %arg7[%dma_wait3A_53, %dma_wait3A_54] : memref<16x50xi32, #tpu.memory_space<vmem>> -> memref<1x50xi32, #tpu.memory_space<vmem>>
    %dma_wait3A_56 = tpu.memref_squeeze %dma_wait3A_55 : memref<1x50xi32, #tpu.memory_space<vmem>> -> memref<50xi32, #tpu.memory_space<vmem>>
    %dma_wait3A_57 = arith.constant 0 : i32
    %dma_wait3A_58 = arith.constant 0 : i32
    %dma_wait3A_59 = tpu.memref_slice %arg5[%dma_wait3A_57, %dma_wait3A_58] : memref<25600x128xf32, #tpu.memory_space<hbm>> -> memref<25600x128xf32, #tpu.memory_space<hbm>>
    tpu.wait_indirect_dma semaphore(%arg19 : memref<!tpu.dma_semaphore, #tpu.memory_space<semaphore_mem>>) src(%arg11 : memref<50x128xf32, #tpu.memory_space<vmem>>) dst(%dma_wait3A_59 : memref<25600x128xf32, #tpu.memory_space<hbm>>)
    return
  }
}

#map = affine_map<(d0, d1) -> (0, 0)>
#map1 = affine_map<(d0, d1) -> (0, 0, 0)>
module attributes {stable_mosaic.version = 14 : i64} {
  func.func @gather_scatter(%arg0: i32, %arg1: i32, %arg2: memref<100000x128xf32, #tpu.memory_space<hbm>>, %arg3: memref<32x16x50xi32, #tpu.memory_space<hbm>>, %arg4: memref<32x16x50xi32, #tpu.memory_space<hbm>>, %arg5: memref<25600x128xf32, #tpu.memory_space<hbm>>, %arg6: memref<16x50xi32, #tpu.memory_space<vmem>>, %arg7: memref<16x50xi32, #tpu.memory_space<vmem>>, %arg8: memref<50x128xf32, #tpu.memory_space<vmem>>, %arg9: memref<50x128xf32, #tpu.memory_space<vmem>>, %arg10: memref<50x128xf32, #tpu.memory_space<vmem>>, %arg11: memref<50x128xf32, #tpu.memory_space<vmem>>, %arg12: memref<!tpu.dma_semaphore, #tpu.memory_space<semaphore_mem>>, %arg13: memref<!tpu.dma_semaphore, #tpu.memory_space<semaphore_mem>>, %arg14: memref<!tpu.dma_semaphore, #tpu.memory_space<semaphore_mem>>, %arg15: memref<!tpu.dma_semaphore, #tpu.memory_space<semaphore_mem>>, %arg16: memref<!tpu.dma_semaphore, #tpu.memory_space<semaphore_mem>>, %arg17: memref<!tpu.dma_semaphore, #tpu.memory_space<semaphore_mem>>, %arg18: memref<!tpu.dma_semaphore, #tpu.memory_space<semaphore_mem>>, %arg19: memref<!tpu.dma_semaphore, #tpu.memory_space<semaphore_mem>>) attributes {dimension_semantics = [#tpu.dimension_semantics<core_parallel>, #tpu.dimension_semantics<subcore_parallel>], iteration_bounds = array<i64: 2, 16>, scalar_prefetch = 0 : i64, scratch_operands = 14 : i64, tpu.core_type = #tpu.core_type<sc_vector_subcore>, window_params = [{transform_indices = #map}, {transform_indices = #map1}, {transform_indices = #map1}, {transform_indices = #map}]} {
    %mul3A = arith.constant 2 : i32
    %mul3A_0 = arith.muli %arg1, %mul3A : i32
    %add3A = arith.addi %mul3A_0, %arg0 : i32
    "tpu.region"() ({
      %run_scoped3A = tpu.sem_alloc : memref<!tpu.dma_semaphore, #tpu.memory_space<semaphore_mem>>
      %dma_start3A_60 = arith.constant 0 : i32
      %dma_start3A_61 = arith.constant 0 : i32
      %dma_start3A_62 = tpu.memref_slice %arg3[%add3A, %dma_start3A_60, %dma_start3A_61] : memref<32x16x50xi32, #tpu.memory_space<hbm>> -> memref<1x16x50xi32, #tpu.memory_space<hbm>>
      %dma_start3A_63 = tpu.memref_squeeze %dma_start3A_62 : memref<1x16x50xi32, #tpu.memory_space<hbm>> -> memref<16x50xi32, #tpu.memory_space<hbm>>
      %dma_start3A_64 = arith.constant 0 : i32
      %dma_start3A_65 = arith.constant 0 : i32
      %dma_start3A_66 = tpu.memref_slice %arg3[%add3A, %dma_start3A_64, %dma_start3A_65] : memref<32x16x50xi32, #tpu.memory_space<hbm>> -> memref<1x16x50xi32, #tpu.memory_space<hbm>>
      %dma_start3A_67 = tpu.memref_squeeze %dma_start3A_66 : memref<1x16x50xi32, #tpu.memory_space<hbm>> -> memref<16x50xi32, #tpu.memory_space<hbm>>
      tpu.enqueue_dma source(%dma_start3A_67 : memref<16x50xi32, #tpu.memory_space<hbm>>) target(%arg6 : memref<16x50xi32, #tpu.memory_space<vmem>>) target_semaphore(%run_scoped3A : memref<!tpu.dma_semaphore, #tpu.memory_space<semaphore_mem>>)
      %dma_wait3A_68 = arith.constant 0 : i32
      %dma_wait3A_69 = arith.constant 0 : i32
      %dma_wait3A_70 = tpu.memref_slice %arg3[%add3A, %dma_wait3A_68, %dma_wait3A_69] : memref<32x16x50xi32, #tpu.memory_space<hbm>> -> memref<1x16x50xi32, #tpu.memory_space<hbm>>
      %dma_wait3A_71 = tpu.memref_squeeze %dma_wait3A_70 : memref<1x16x50xi32, #tpu.memory_space<hbm>> -> memref<16x50xi32, #tpu.memory_space<hbm>>
      %dma_wait3A_72 = arith.constant 0 : i32
      %dma_wait3A_73 = arith.constant 0 : i32
      %dma_wait3A_74 = tpu.memref_slice %arg3[%add3A, %dma_wait3A_72, %dma_wait3A_73] : memref<32x16x50xi32, #tpu.memory_space<hbm>> -> memref<1x16x50xi32, #tpu.memory_space<hbm>>
      %dma_wait3A_75 = tpu.memref_squeeze %dma_wait3A_74 : memref<1x16x50xi32, #tpu.memory_space<hbm>> -> memref<16x50xi32, #tpu.memory_space<hbm>>
      tpu.wait_dma2 semaphore(%run_scoped3A : memref<!tpu.dma_semaphore, #tpu.memory_space<semaphore_mem>>) src(%dma_wait3A_75 : memref<16x50xi32, #tpu.memory_space<hbm>>) dst(%arg6 : memref<16x50xi32, #tpu.memory_space<vmem>>)
      tpu.yield
    }) : () -> ()
    "tpu.region"() ({
      %run_scoped3A = tpu.sem_alloc : memref<!tpu.dma_semaphore, #tpu.memory_space<semaphore_mem>>
      %dma_start3A_60 = arith.constant 0 : i32
      %dma_start3A_61 = arith.constant 0 : i32
      %dma_start3A_62 = tpu.memref_slice %arg4[%add3A, %dma_start3A_60, %dma_start3A_61] : memref<32x16x50xi32, #tpu.memory_space<hbm>> -> memref<1x16x50xi32, #tpu.memory_space<hbm>>
      %dma_start3A_63 = tpu.memref_squeeze %dma_start3A_62 : memref<1x16x50xi32, #tpu.memory_space<hbm>> -> memref<16x50xi32, #tpu.memory_space<hbm>>
      %dma_start3A_64 = arith.constant 0 : i32
      %dma_start3A_65 = arith.constant 0 : i32
      %dma_start3A_66 = tpu.memref_slice %arg4[%add3A, %dma_start3A_64, %dma_start3A_65] : memref<32x16x50xi32, #tpu.memory_space<hbm>> -> memref<1x16x50xi32, #tpu.memory_space<hbm>>
      %dma_start3A_67 = tpu.memref_squeeze %dma_start3A_66 : memref<1x16x50xi32, #tpu.memory_space<hbm>> -> memref<16x50xi32, #tpu.memory_space<hbm>>
      tpu.enqueue_dma source(%dma_start3A_67 : memref<16x50xi32, #tpu.memory_space<hbm>>) target(%arg7 : memref<16x50xi32, #tpu.memory_space<vmem>>) target_semaphore(%run_scoped3A : memref<!tpu.dma_semaphore, #tpu.memory_space<semaphore_mem>>)
      %dma_wait3A_68 = arith.constant 0 : i32
      %dma_wait3A_69 = arith.constant 0 : i32
      %dma_wait3A_70 = tpu.memref_slice %arg4[%add3A, %dma_wait3A_68, %dma_wait3A_69] : memref<32x16x50xi32, #tpu.memory_space<hbm>> -> memref<1x16x50xi32, #tpu.memory_space<hbm>>
      %dma_wait3A_71 = tpu.memref_squeeze %dma_wait3A_70 : memref<1x16x50xi32, #tpu.memory_space<hbm>> -> memref<16x50xi32, #tpu.memory_space<hbm>>
      %dma_wait3A_72 = arith.constant 0 : i32
      %dma_wait3A_73 = arith.constant 0 : i32
      %dma_wait3A_74 = tpu.memref_slice %arg4[%add3A, %dma_wait3A_72, %dma_wait3A_73] : memref<32x16x50xi32, #tpu.memory_space<hbm>> -> memref<1x16x50xi32, #tpu.memory_space<hbm>>
      %dma_wait3A_75 = tpu.memref_squeeze %dma_wait3A_74 : memref<1x16x50xi32, #tpu.memory_space<hbm>> -> memref<16x50xi32, #tpu.memory_space<hbm>>
      tpu.wait_dma2 semaphore(%run_scoped3A : memref<!tpu.dma_semaphore, #tpu.memory_space<semaphore_mem>>) src(%dma_wait3A_75 : memref<16x50xi32, #tpu.memory_space<hbm>>) dst(%arg7 : memref<16x50xi32, #tpu.memory_space<vmem>>)
      tpu.yield
    }) : () -> ()
    %dma_start3A = arith.constant 0 : i32
    %dma_start3A_1 = arith.constant 0 : i32
    %dma_start3A_2 = tpu.memref_slice %arg6[%dma_start3A, %dma_start3A_1] : memref<16x50xi32, #tpu.memory_space<vmem>> -> memref<1x50xi32, #tpu.memory_space<vmem>>
    %dma_start3A_3 = tpu.memref_squeeze %dma_start3A_2 : memref<1x50xi32, #tpu.memory_space<vmem>> -> memref<50xi32, #tpu.memory_space<vmem>>
    %dma_start3A_4 = arith.constant 0 : i32
    %dma_start3A_5 = arith.constant 0 : i32
    %dma_start3A_6 = tpu.memref_slice %arg2[%dma_start3A_4, %dma_start3A_5] : memref<100000x128xf32, #tpu.memory_space<hbm>> -> memref<100000x128xf32, #tpu.memory_space<hbm>>
    tpu.enqueue_indirect_dma source(%dma_start3A_6 : memref<100000x128xf32, #tpu.memory_space<hbm>>) target(%arg8 : memref<50x128xf32, #tpu.memory_space<vmem>>) offsets(%dma_start3A_3 : memref<50xi32, #tpu.memory_space<vmem>>) semaphore(%arg12 : memref<!tpu.dma_semaphore, #tpu.memory_space<semaphore_mem>>)
    %dma_start3A_7 = arith.constant 1 : i32
    %dma_start3A_8 = arith.constant 0 : i32
    %dma_start3A_9 = tpu.memref_slice %arg6[%dma_start3A_7, %dma_start3A_8] : memref<16x50xi32, #tpu.memory_space<vmem>> -> memref<1x50xi32, #tpu.memory_space<vmem>>
    %dma_start3A_10 = tpu.memref_squeeze %dma_start3A_9 : memref<1x50xi32, #tpu.memory_space<vmem>> -> memref<50xi32, #tpu.memory_space<vmem>>
    %dma_start3A_11 = arith.constant 0 : i32
    %dma_start3A_12 = arith.constant 0 : i32
    %dma_start3A_13 = tpu.memref_slice %arg2[%dma_start3A_11, %dma_start3A_12] : memref<100000x128xf32, #tpu.memory_space<hbm>> -> memref<100000x128xf32, #tpu.memory_space<hbm>>
    tpu.enqueue_indirect_dma source(%dma_start3A_13 : memref<100000x128xf32, #tpu.memory_space<hbm>>) target(%arg9 : memref<50x128xf32, #tpu.memory_space<vmem>>) offsets(%dma_start3A_10 : memref<50xi32, #tpu.memory_space<vmem>>) semaphore(%arg13 : memref<!tpu.dma_semaphore, #tpu.memory_space<semaphore_mem>>)
    %dma_start3A_14 = arith.constant 2 : i32
    %dma_start3A_15 = arith.constant 0 : i32
    %dma_start3A_16 = tpu.memref_slice %arg6[%dma_start3A_14, %dma_start3A_15] : memref<16x50xi32, #tpu.memory_space<vmem>> -> memref<1x50xi32, #tpu.memory_space<vmem>>
    %dma_start3A_17 = tpu.memref_squeeze %dma_start3A_16 : memref<1x50xi32, #tpu.memory_space<vmem>> -> memref<50xi32, #tpu.memory_space<vmem>>
    %dma_start3A_18 = arith.constant 0 : i32
    %dma_start3A_19 = arith.constant 0 : i32
    %dma_start3A_20 = tpu.memref_slice %arg2[%dma_start3A_18, %dma_start3A_19] : memref<100000x128xf32, #tpu.memory_space<hbm>> -> memref<100000x128xf32, #tpu.memory_space<hbm>>
    tpu.enqueue_indirect_dma source(%dma_start3A_20 : memref<100000x128xf32, #tpu.memory_space<hbm>>) target(%arg10 : memref<50x128xf32, #tpu.memory_space<vmem>>) offsets(%dma_start3A_17 : memref<50xi32, #tpu.memory_space<vmem>>) semaphore(%arg14 : memref<!tpu.dma_semaphore, #tpu.memory_space<semaphore_mem>>)
    %dma_start3A_21 = arith.constant 3 : i32
    %dma_start3A_22 = arith.constant 0 : i32
    %dma_start3A_23 = tpu.memref_slice %arg6[%dma_start3A_21, %dma_start3A_22] : memref<16x50xi32, #tpu.memory_space<vmem>> -> memref<1x50xi32, #tpu.memory_space<vmem>>
    %dma_start3A_24 = tpu.memref_squeeze %dma_start3A_23 : memref<1x50xi32, #tpu.memory_space<vmem>> -> memref<50xi32, #tpu.memory_space<vmem>>
    %dma_start3A_25 = arith.constant 0 : i32
    %dma_start3A_26 = arith.constant 0 : i32
    %dma_start3A_27 = tpu.memref_slice %arg2[%dma_start3A_25, %dma_start3A_26] : memref<100000x128xf32, #tpu.memory_space<hbm>> -> memref<100000x128xf32, #tpu.memory_space<hbm>>
    tpu.enqueue_indirect_dma source(%dma_start3A_27 : memref<100000x128xf32, #tpu.memory_space<hbm>>) target(%arg11 : memref<50x128xf32, #tpu.memory_space<vmem>>) offsets(%dma_start3A_24 : memref<50xi32, #tpu.memory_space<vmem>>) semaphore(%arg15 : memref<!tpu.dma_semaphore, #tpu.memory_space<semaphore_mem>>)
    %scan3A = arith.constant 0 : i32
    %scan3A_28 = arith.constant 0 : i32
    %scan3A_29 = arith.constant 4 : i32
    %scan3A_30 = arith.addi %scan3A_28, %scan3A_29 : i32
    %scan3A_31 = arith.constant 1 : i32
    scf.for %scan3A_60 = %scan3A_28 to %scan3A_30 step %scan3A_31  : i32 {
      %mul3A_61 = arith.constant 4 : i32
      %mul3A_62 = arith.muli %scan3A_60, %mul3A_61 : i32
      %dma_wait3A_63 = arith.constant 0 : i32
      %dma_wait3A_64 = arith.constant 0 : i32
      %dma_wait3A_65 = tpu.memref_slice %arg6[%dma_wait3A_63, %dma_wait3A_64] : memref<16x50xi32, #tpu.memory_space<vmem>> -> memref<1x50xi32, #tpu.memory_space<vmem>>
      %dma_wait3A_66 = tpu.memref_squeeze %dma_wait3A_65 : memref<1x50xi32, #tpu.memory_space<vmem>> -> memref<50xi32, #tpu.memory_space<vmem>>
      %dma_wait3A_67 = arith.constant 0 : i32
      %dma_wait3A_68 = arith.constant 0 : i32
      %dma_wait3A_69 = tpu.memref_slice %arg2[%dma_wait3A_67, %dma_wait3A_68] : memref<100000x128xf32, #tpu.memory_space<hbm>> -> memref<100000x128xf32, #tpu.memory_space<hbm>>
      tpu.wait_indirect_dma semaphore(%arg12 : memref<!tpu.dma_semaphore, #tpu.memory_space<semaphore_mem>>) src(%dma_wait3A_69 : memref<100000x128xf32, #tpu.memory_space<hbm>>) dst(%arg8 : memref<50x128xf32, #tpu.memory_space<vmem>>)
      %add3A_70 = arith.constant 0 : i32
      %add3A_71 = arith.addi %mul3A_62, %add3A_70 : i32
      %dma_start3A_72 = arith.constant 0 : i32
      %dma_start3A_73 = tpu.memref_slice %arg7[%add3A_71, %dma_start3A_72] : memref<16x50xi32, #tpu.memory_space<vmem>> -> memref<1x50xi32, #tpu.memory_space<vmem>>
      %dma_start3A_74 = tpu.memref_squeeze %dma_start3A_73 : memref<1x50xi32, #tpu.memory_space<vmem>> -> memref<50xi32, #tpu.memory_space<vmem>>
      %dma_start3A_75 = arith.constant 0 : i32
      %dma_start3A_76 = arith.constant 0 : i32
      %dma_start3A_77 = tpu.memref_slice %arg5[%dma_start3A_75, %dma_start3A_76] : memref<25600x128xf32, #tpu.memory_space<hbm>> -> memref<25600x128xf32, #tpu.memory_space<hbm>>
      tpu.enqueue_indirect_dma source(%arg8 : memref<50x128xf32, #tpu.memory_space<vmem>>) target(%dma_start3A_77 : memref<25600x128xf32, #tpu.memory_space<hbm>>) offsets(%dma_start3A_74 : memref<50xi32, #tpu.memory_space<vmem>>) semaphore(%arg16 : memref<!tpu.dma_semaphore, #tpu.memory_space<semaphore_mem>>)
      %dma_wait3A_78 = arith.constant 0 : i32
      %dma_wait3A_79 = arith.constant 0 : i32
      %dma_wait3A_80 = tpu.memref_slice %arg6[%dma_wait3A_78, %dma_wait3A_79] : memref<16x50xi32, #tpu.memory_space<vmem>> -> memref<1x50xi32, #tpu.memory_space<vmem>>
      %dma_wait3A_81 = tpu.memref_squeeze %dma_wait3A_80 : memref<1x50xi32, #tpu.memory_space<vmem>> -> memref<50xi32, #tpu.memory_space<vmem>>
      %dma_wait3A_82 = arith.constant 0 : i32
      %dma_wait3A_83 = arith.constant 0 : i32
      %dma_wait3A_84 = tpu.memref_slice %arg2[%dma_wait3A_82, %dma_wait3A_83] : memref<100000x128xf32, #tpu.memory_space<hbm>> -> memref<100000x128xf32, #tpu.memory_space<hbm>>
      tpu.wait_indirect_dma semaphore(%arg13 : memref<!tpu.dma_semaphore, #tpu.memory_space<semaphore_mem>>) src(%dma_wait3A_84 : memref<100000x128xf32, #tpu.memory_space<hbm>>) dst(%arg9 : memref<50x128xf32, #tpu.memory_space<vmem>>)
      %add3A_85 = arith.constant 1 : i32
      %add3A_86 = arith.addi %mul3A_62, %add3A_85 : i32
      %dma_start3A_87 = arith.constant 0 : i32
      %dma_start3A_88 = tpu.memref_slice %arg7[%add3A_86, %dma_start3A_87] : memref<16x50xi32, #tpu.memory_space<vmem>> -> memref<1x50xi32, #tpu.memory_space<vmem>>
      %dma_start3A_89 = tpu.memref_squeeze %dma_start3A_88 : memref<1x50xi32, #tpu.memory_space<vmem>> -> memref<50xi32, #tpu.memory_space<vmem>>
      %dma_start3A_90 = arith.constant 0 : i32
      %dma_start3A_91 = arith.constant 0 : i32
      %dma_start3A_92 = tpu.memref_slice %arg5[%dma_start3A_90, %dma_start3A_91] : memref<25600x128xf32, #tpu.memory_space<hbm>> -> memref<25600x128xf32, #tpu.memory_space<hbm>>
      tpu.enqueue_indirect_dma source(%arg9 : memref<50x128xf32, #tpu.memory_space<vmem>>) target(%dma_start3A_92 : memref<25600x128xf32, #tpu.memory_space<hbm>>) offsets(%dma_start3A_89 : memref<50xi32, #tpu.memory_space<vmem>>) semaphore(%arg17 : memref<!tpu.dma_semaphore, #tpu.memory_space<semaphore_mem>>)
      %dma_wait3A_93 = arith.constant 0 : i32
      %dma_wait3A_94 = arith.constant 0 : i32
      %dma_wait3A_95 = tpu.memref_slice %arg6[%dma_wait3A_93, %dma_wait3A_94] : memref<16x50xi32, #tpu.memory_space<vmem>> -> memref<1x50xi32, #tpu.memory_space<vmem>>
      %dma_wait3A_96 = tpu.memref_squeeze %dma_wait3A_95 : memref<1x50xi32, #tpu.memory_space<vmem>> -> memref<50xi32, #tpu.memory_space<vmem>>
      %dma_wait3A_97 = arith.constant 0 : i32
      %dma_wait3A_98 = arith.constant 0 : i32
      %dma_wait3A_99 = tpu.memref_slice %arg2[%dma_wait3A_97, %dma_wait3A_98] : memref<100000x128xf32, #tpu.memory_space<hbm>> -> memref<100000x128xf32, #tpu.memory_space<hbm>>
      tpu.wait_indirect_dma semaphore(%arg14 : memref<!tpu.dma_semaphore, #tpu.memory_space<semaphore_mem>>) src(%dma_wait3A_99 : memref<100000x128xf32, #tpu.memory_space<hbm>>) dst(%arg10 : memref<50x128xf32, #tpu.memory_space<vmem>>)
      %add3A_100 = arith.constant 2 : i32
      %add3A_101 = arith.addi %mul3A_62, %add3A_100 : i32
      %dma_start3A_102 = arith.constant 0 : i32
      %dma_start3A_103 = tpu.memref_slice %arg7[%add3A_101, %dma_start3A_102] : memref<16x50xi32, #tpu.memory_space<vmem>> -> memref<1x50xi32, #tpu.memory_space<vmem>>
      %dma_start3A_104 = tpu.memref_squeeze %dma_start3A_103 : memref<1x50xi32, #tpu.memory_space<vmem>> -> memref<50xi32, #tpu.memory_space<vmem>>
      %dma_start3A_105 = arith.constant 0 : i32
      %dma_start3A_106 = arith.constant 0 : i32
      %dma_start3A_107 = tpu.memref_slice %arg5[%dma_start3A_105, %dma_start3A_106] : memref<25600x128xf32, #tpu.memory_space<hbm>> -> memref<25600x128xf32, #tpu.memory_space<hbm>>
      tpu.enqueue_indirect_dma source(%arg10 : memref<50x128xf32, #tpu.memory_space<vmem>>) target(%dma_start3A_107 : memref<25600x128xf32, #tpu.memory_space<hbm>>) offsets(%dma_start3A_104 : memref<50xi32, #tpu.memory_space<vmem>>) semaphore(%arg18 : memref<!tpu.dma_semaphore, #tpu.memory_space<semaphore_mem>>)
      %dma_wait3A_108 = arith.constant 0 : i32
      %dma_wait3A_109 = arith.constant 0 : i32
      %dma_wait3A_110 = tpu.memref_slice %arg6[%dma_wait3A_108, %dma_wait3A_109] : memref<16x50xi32, #tpu.memory_space<vmem>> -> memref<1x50xi32, #tpu.memory_space<vmem>>
      %dma_wait3A_111 = tpu.memref_squeeze %dma_wait3A_110 : memref<1x50xi32, #tpu.memory_space<vmem>> -> memref<50xi32, #tpu.memory_space<vmem>>
      %dma_wait3A_112 = arith.constant 0 : i32
      %dma_wait3A_113 = arith.constant 0 : i32
      %dma_wait3A_114 = tpu.memref_slice %arg2[%dma_wait3A_112, %dma_wait3A_113] : memref<100000x128xf32, #tpu.memory_space<hbm>> -> memref<100000x128xf32, #tpu.memory_space<hbm>>
      tpu.wait_indirect_dma semaphore(%arg15 : memref<!tpu.dma_semaphore, #tpu.memory_space<semaphore_mem>>) src(%dma_wait3A_114 : memref<100000x128xf32, #tpu.memory_space<hbm>>) dst(%arg11 : memref<50x128xf32, #tpu.memory_space<vmem>>)
      %add3A_115 = arith.constant 3 : i32
      %add3A_116 = arith.addi %mul3A_62, %add3A_115 : i32
      %dma_start3A_117 = arith.constant 0 : i32
      %dma_start3A_118 = tpu.memref_slice %arg7[%add3A_116, %dma_start3A_117] : memref<16x50xi32, #tpu.memory_space<vmem>> -> memref<1x50xi32, #tpu.memory_space<vmem>>
      %dma_start3A_119 = tpu.memref_squeeze %dma_start3A_118 : memref<1x50xi32, #tpu.memory_space<vmem>> -> memref<50xi32, #tpu.memory_space<vmem>>
      %dma_start3A_120 = arith.constant 0 : i32
      %dma_start3A_121 = arith.constant 0 : i32
      %dma_start3A_122 = tpu.memref_slice %arg5[%dma_start3A_120, %dma_start3A_121] : memref<25600x128xf32, #tpu.memory_space<hbm>> -> memref<25600x128xf32, #tpu.memory_space<hbm>>
      tpu.enqueue_indirect_dma source(%arg11 : memref<50x128xf32, #tpu.memory_space<vmem>>) target(%dma_start3A_122 : memref<25600x128xf32, #tpu.memory_space<hbm>>) offsets(%dma_start3A_119 : memref<50xi32, #tpu.memory_space<vmem>>) semaphore(%arg19 : memref<!tpu.dma_semaphore, #tpu.memory_space<semaphore_mem>>)
      %lt3A = arith.constant 3 : i32
      %lt3A_123 = arith.cmpi slt, %scan3A_60, %lt3A : i32
      %convert_element_type3A = arith.extui %lt3A_123 : i1 to i32
      %cond3A = arith.constant 0 : i32
      %cond3A_124 = arith.cmpi ne, %convert_element_type3A, %cond3A : i32
      scf.if %cond3A_124 {
        %dma_wait3A_125 = arith.constant 0 : i32
        %dma_wait3A_126 = arith.constant 0 : i32
        %dma_wait3A_127 = tpu.memref_slice %arg7[%dma_wait3A_125, %dma_wait3A_126] : memref<16x50xi32, #tpu.memory_space<vmem>> -> memref<1x50xi32, #tpu.memory_space<vmem>>
        %dma_wait3A_128 = tpu.memref_squeeze %dma_wait3A_127 : memref<1x50xi32, #tpu.memory_space<vmem>> -> memref<50xi32, #tpu.memory_space<vmem>>
        %dma_wait3A_129 = arith.constant 0 : i32
        %dma_wait3A_130 = arith.constant 0 : i32
        %dma_wait3A_131 = tpu.memref_slice %arg5[%dma_wait3A_129, %dma_wait3A_130] : memref<25600x128xf32, #tpu.memory_space<hbm>> -> memref<25600x128xf32, #tpu.memory_space<hbm>>
        tpu.wait_indirect_dma semaphore(%arg16 : memref<!tpu.dma_semaphore, #tpu.memory_space<semaphore_mem>>) src(%arg8 : memref<50x128xf32, #tpu.memory_space<vmem>>) dst(%dma_wait3A_131 : memref<25600x128xf32, #tpu.memory_space<hbm>>)
        %add3A_132 = arith.constant 4 : i32
        %add3A_133 = arith.addi %mul3A_62, %add3A_132 : i32
        %add3A_134 = arith.constant 0 : i32
        %add3A_135 = arith.addi %add3A_133, %add3A_134 : i32
        %dma_start3A_136 = arith.constant 0 : i32
        %dma_start3A_137 = tpu.memref_slice %arg6[%add3A_135, %dma_start3A_136] : memref<16x50xi32, #tpu.memory_space<vmem>> -> memref<1x50xi32, #tpu.memory_space<vmem>>
        %dma_start3A_138 = tpu.memref_squeeze %dma_start3A_137 : memref<1x50xi32, #tpu.memory_space<vmem>> -> memref<50xi32, #tpu.memory_space<vmem>>
        %dma_start3A_139 = arith.constant 0 : i32
        %dma_start3A_140 = arith.constant 0 : i32
        %dma_start3A_141 = tpu.memref_slice %arg2[%dma_start3A_139, %dma_start3A_140] : memref<100000x128xf32, #tpu.memory_space<hbm>> -> memref<100000x128xf32, #tpu.memory_space<hbm>>
        tpu.enqueue_indirect_dma source(%dma_start3A_141 : memref<100000x128xf32, #tpu.memory_space<hbm>>) target(%arg8 : memref<50x128xf32, #tpu.memory_space<vmem>>) offsets(%dma_start3A_138 : memref<50xi32, #tpu.memory_space<vmem>>) semaphore(%arg12 : memref<!tpu.dma_semaphore, #tpu.memory_space<semaphore_mem>>)
        %dma_wait3A_142 = arith.constant 0 : i32
        %dma_wait3A_143 = arith.constant 0 : i32
        %dma_wait3A_144 = tpu.memref_slice %arg7[%dma_wait3A_142, %dma_wait3A_143] : memref<16x50xi32, #tpu.memory_space<vmem>> -> memref<1x50xi32, #tpu.memory_space<vmem>>
        %dma_wait3A_145 = tpu.memref_squeeze %dma_wait3A_144 : memref<1x50xi32, #tpu.memory_space<vmem>> -> memref<50xi32, #tpu.memory_space<vmem>>
        %dma_wait3A_146 = arith.constant 0 : i32
        %dma_wait3A_147 = arith.constant 0 : i32
        %dma_wait3A_148 = tpu.memref_slice %arg5[%dma_wait3A_146, %dma_wait3A_147] : memref<25600x128xf32, #tpu.memory_space<hbm>> -> memref<25600x128xf32, #tpu.memory_space<hbm>>
        tpu.wait_indirect_dma semaphore(%arg17 : memref<!tpu.dma_semaphore, #tpu.memory_space<semaphore_mem>>) src(%arg9 : memref<50x128xf32, #tpu.memory_space<vmem>>) dst(%dma_wait3A_148 : memref<25600x128xf32, #tpu.memory_space<hbm>>)
        %add3A_149 = arith.constant 4 : i32
        %add3A_150 = arith.addi %mul3A_62, %add3A_149 : i32
        %add3A_151 = arith.constant 1 : i32
        %add3A_152 = arith.addi %add3A_150, %add3A_151 : i32
        %dma_start3A_153 = arith.constant 0 : i32
        %dma_start3A_154 = tpu.memref_slice %arg6[%add3A_152, %dma_start3A_153] : memref<16x50xi32, #tpu.memory_space<vmem>> -> memref<1x50xi32, #tpu.memory_space<vmem>>
        %dma_start3A_155 = tpu.memref_squeeze %dma_start3A_154 : memref<1x50xi32, #tpu.memory_space<vmem>> -> memref<50xi32, #tpu.memory_space<vmem>>
        %dma_start3A_156 = arith.constant 0 : i32
        %dma_start3A_157 = arith.constant 0 : i32
        %dma_start3A_158 = tpu.memref_slice %arg2[%dma_start3A_156, %dma_start3A_157] : memref<100000x128xf32, #tpu.memory_space<hbm>> -> memref<100000x128xf32, #tpu.memory_space<hbm>>
        tpu.enqueue_indirect_dma source(%dma_start3A_158 : memref<100000x128xf32, #tpu.memory_space<hbm>>) target(%arg9 : memref<50x128xf32, #tpu.memory_space<vmem>>) offsets(%dma_start3A_155 : memref<50xi32, #tpu.memory_space<vmem>>) semaphore(%arg13 : memref<!tpu.dma_semaphore, #tpu.memory_space<semaphore_mem>>)
        %dma_wait3A_159 = arith.constant 0 : i32
        %dma_wait3A_160 = arith.constant 0 : i32
        %dma_wait3A_161 = tpu.memref_slice %arg7[%dma_wait3A_159, %dma_wait3A_160] : memref<16x50xi32, #tpu.memory_space<vmem>> -> memref<1x50xi32, #tpu.memory_space<vmem>>
        %dma_wait3A_162 = tpu.memref_squeeze %dma_wait3A_161 : memref<1x50xi32, #tpu.memory_space<vmem>> -> memref<50xi32, #tpu.memory_space<vmem>>
        %dma_wait3A_163 = arith.constant 0 : i32
        %dma_wait3A_164 = arith.constant 0 : i32
        %dma_wait3A_165 = tpu.memref_slice %arg5[%dma_wait3A_163, %dma_wait3A_164] : memref<25600x128xf32, #tpu.memory_space<hbm>> -> memref<25600x128xf32, #tpu.memory_space<hbm>>
        tpu.wait_indirect_dma semaphore(%arg18 : memref<!tpu.dma_semaphore, #tpu.memory_space<semaphore_mem>>) src(%arg10 : memref<50x128xf32, #tpu.memory_space<vmem>>) dst(%dma_wait3A_165 : memref<25600x128xf32, #tpu.memory_space<hbm>>)
        %add3A_166 = arith.constant 4 : i32
        %add3A_167 = arith.addi %mul3A_62, %add3A_166 : i32
        %add3A_168 = arith.constant 2 : i32
        %add3A_169 = arith.addi %add3A_167, %add3A_168 : i32
        %dma_start3A_170 = arith.constant 0 : i32
        %dma_start3A_171 = tpu.memref_slice %arg6[%add3A_169, %dma_start3A_170] : memref<16x50xi32, #tpu.memory_space<vmem>> -> memref<1x50xi32, #tpu.memory_space<vmem>>
        %dma_start3A_172 = tpu.memref_squeeze %dma_start3A_171 : memref<1x50xi32, #tpu.memory_space<vmem>> -> memref<50xi32, #tpu.memory_space<vmem>>
        %dma_start3A_173 = arith.constant 0 : i32
        %dma_start3A_174 = arith.constant 0 : i32
        %dma_start3A_175 = tpu.memref_slice %arg2[%dma_start3A_173, %dma_start3A_174] : memref<100000x128xf32, #tpu.memory_space<hbm>> -> memref<100000x128xf32, #tpu.memory_space<hbm>>
        tpu.enqueue_indirect_dma source(%dma_start3A_175 : memref<100000x128xf32, #tpu.memory_space<hbm>>) target(%arg10 : memref<50x128xf32, #tpu.memory_space<vmem>>) offsets(%dma_start3A_172 : memref<50xi32, #tpu.memory_space<vmem>>) semaphore(%arg14 : memref<!tpu.dma_semaphore, #tpu.memory_space<semaphore_mem>>)
        %dma_wait3A_176 = arith.constant 0 : i32
        %dma_wait3A_177 = arith.constant 0 : i32
        %dma_wait3A_178 = tpu.memref_slice %arg7[%dma_wait3A_176, %dma_wait3A_177] : memref<16x50xi32, #tpu.memory_space<vmem>> -> memref<1x50xi32, #tpu.memory_space<vmem>>
        %dma_wait3A_179 = tpu.memref_squeeze %dma_wait3A_178 : memref<1x50xi32, #tpu.memory_space<vmem>> -> memref<50xi32, #tpu.memory_space<vmem>>
        %dma_wait3A_180 = arith.constant 0 : i32
        %dma_wait3A_181 = arith.constant 0 : i32
        %dma_wait3A_182 = tpu.memref_slice %arg5[%dma_wait3A_180, %dma_wait3A_181] : memref<25600x128xf32, #tpu.memory_space<hbm>> -> memref<25600x128xf32, #tpu.memory_space<hbm>>
        tpu.wait_indirect_dma semaphore(%arg19 : memref<!tpu.dma_semaphore, #tpu.memory_space<semaphore_mem>>) src(%arg11 : memref<50x128xf32, #tpu.memory_space<vmem>>) dst(%dma_wait3A_182 : memref<25600x128xf32, #tpu.memory_space<hbm>>)
        %add3A_183 = arith.constant 4 : i32
        %add3A_184 = arith.addi %mul3A_62, %add3A_183 : i32
        %add3A_185 = arith.constant 3 : i32
        %add3A_186 = arith.addi %add3A_184, %add3A_185 : i32
        %dma_start3A_187 = arith.constant 0 : i32
        %dma_start3A_188 = tpu.memref_slice %arg6[%add3A_186, %dma_start3A_187] : memref<16x50xi32, #tpu.memory_space<vmem>> -> memref<1x50xi32, #tpu.memory_space<vmem>>
        %dma_start3A_189 = tpu.memref_squeeze %dma_start3A_188 : memref<1x50xi32, #tpu.memory_space<vmem>> -> memref<50xi32, #tpu.memory_space<vmem>>
        %dma_start3A_190 = arith.constant 0 : i32
        %dma_start3A_191 = arith.constant 0 : i32
        %dma_start3A_192 = tpu.memref_slice %arg2[%dma_start3A_190, %dma_start3A_191] : memref<100000x128xf32, #tpu.memory_space<hbm>> -> memref<100000x128xf32, #tpu.memory_space<hbm>>
        tpu.enqueue_indirect_dma source(%dma_start3A_192 : memref<100000x128xf32, #tpu.memory_space<hbm>>) target(%arg11 : memref<50x128xf32, #tpu.memory_space<vmem>>) offsets(%dma_start3A_189 : memref<50xi32, #tpu.memory_space<vmem>>) semaphore(%arg15 : memref<!tpu.dma_semaphore, #tpu.memory_space<semaphore_mem>>)
      } else {
      }
    }
    %scan3A_32 = arith.constant 4 : i32
    %dma_wait3A = arith.constant 0 : i32
    %dma_wait3A_33 = arith.constant 0 : i32
    %dma_wait3A_34 = tpu.memref_slice %arg7[%dma_wait3A, %dma_wait3A_33] : memref<16x50xi32, #tpu.memory_space<vmem>> -> memref<1x50xi32, #tpu.memory_space<vmem>>
    %dma_wait3A_35 = tpu.memref_squeeze %dma_wait3A_34 : memref<1x50xi32, #tpu.memory_space<vmem>> -> memref<50xi32, #tpu.memory_space<vmem>>
    %dma_wait3A_36 = arith.constant 0 : i32
    %dma_wait3A_37 = arith.constant 0 : i32
    %dma_wait3A_38 = tpu.memref_slice %arg5[%dma_wait3A_36, %dma_wait3A_37] : memref<25600x128xf32, #tpu.memory_space<hbm>> -> memref<25600x128xf32, #tpu.memory_space<hbm>>
    tpu.wait_indirect_dma semaphore(%arg16 : memref<!tpu.dma_semaphore, #tpu.memory_space<semaphore_mem>>) src(%arg8 : memref<50x128xf32, #tpu.memory_space<vmem>>) dst(%dma_wait3A_38 : memref<25600x128xf32, #tpu.memory_space<hbm>>)
    %dma_wait3A_39 = arith.constant 0 : i32
    %dma_wait3A_40 = arith.constant 0 : i32
    %dma_wait3A_41 = tpu.memref_slice %arg7[%dma_wait3A_39, %dma_wait3A_40] : memref<16x50xi32, #tpu.memory_space<vmem>> -> memref<1x50xi32, #tpu.memory_space<vmem>>
    %dma_wait3A_42 = tpu.memref_squeeze %dma_wait3A_41 : memref<1x50xi32, #tpu.memory_space<vmem>> -> memref<50xi32, #tpu.memory_space<vmem>>
    %dma_wait3A_43 = arith.constant 0 : i32
    %dma_wait3A_44 = arith.constant 0 : i32
    %dma_wait3A_45 = tpu.memref_slice %arg5[%dma_wait3A_43, %dma_wait3A_44] : memref<25600x128xf32, #tpu.memory_space<hbm>> -> memref<25600x128xf32, #tpu.memory_space<hbm>>
    tpu.wait_indirect_dma semaphore(%arg17 : memref<!tpu.dma_semaphore, #tpu.memory_space<semaphore_mem>>) src(%arg9 : memref<50x128xf32, #tpu.memory_space<vmem>>) dst(%dma_wait3A_45 : memref<25600x128xf32, #tpu.memory_space<hbm>>)
    %dma_wait3A_46 = arith.constant 0 : i32
    %dma_wait3A_47 = arith.constant 0 : i32
    %dma_wait3A_48 = tpu.memref_slice %arg7[%dma_wait3A_46, %dma_wait3A_47] : memref<16x50xi32, #tpu.memory_space<vmem>> -> memref<1x50xi32, #tpu.memory_space<vmem>>
    %dma_wait3A_49 = tpu.memref_squeeze %dma_wait3A_48 : memref<1x50xi32, #tpu.memory_space<vmem>> -> memref<50xi32, #tpu.memory_space<vmem>>
    %dma_wait3A_50 = arith.constant 0 : i32
    %dma_wait3A_51 = arith.constant 0 : i32
    %dma_wait3A_52 = tpu.memref_slice %arg5[%dma_wait3A_50, %dma_wait3A_51] : memref<25600x128xf32, #tpu.memory_space<hbm>> -> memref<25600x128xf32, #tpu.memory_space<hbm>>
    tpu.wait_indirect_dma semaphore(%arg18 : memref<!tpu.dma_semaphore, #tpu.memory_space<semaphore_mem>>) src(%arg10 : memref<50x128xf32, #tpu.memory_space<vmem>>) dst(%dma_wait3A_52 : memref<25600x128xf32, #tpu.memory_space<hbm>>)
    %dma_wait3A_53 = arith.constant 0 : i32
    %dma_wait3A_54 = arith.constant 0 : i32
    %dma_wait3A_55 = tpu.memref_slice %arg7[%dma_wait3A_53, %dma_wait3A_54] : memref<16x50xi32, #tpu.memory_space<vmem>> -> memref<1x50xi32, #tpu.memory_space<vmem>>
    %dma_wait3A_56 = tpu.memref_squeeze %dma_wait3A_55 : memref<1x50xi32, #tpu.memory_space<vmem>> -> memref<50xi32, #tpu.memory_space<vmem>>
    %dma_wait3A_57 = arith.constant 0 : i32
    %dma_wait3A_58 = arith.constant 0 : i32
    %dma_wait3A_59 = tpu.memref_slice %arg5[%dma_wait3A_57, %dma_wait3A_58] : memref<25600x128xf32, #tpu.memory_space<hbm>> -> memref<25600x128xf32, #tpu.memory_space<hbm>>
    tpu.wait_indirect_dma semaphore(%arg19 : memref<!tpu.dma_semaphore, #tpu.memory_space<semaphore_mem>>) src(%arg11 : memref<50x128xf32, #tpu.memory_space<vmem>>) dst(%dma_wait3A_59 : memref<25600x128xf32, #tpu.memory_space<hbm>>)
    return
  }
}

module attributes {stable_mosaic.version = 14 : i64} {
  func.func @body(%arg0: i32, %arg1: memref<50x64x128xf32, #tpu.memory_space<vmem>>, %arg2: memref<50x64x128xf32, #tpu.memory_space<vmem>>, %arg3: memref<50x64x128xf32, #tpu.memory_space<vmem>>) attributes {dimension_semantics = [#tpu.dimension_semantics<arbitrary>], iteration_bounds = array<i64: 8>, scalar_prefetch = 0 : i64, scratch_operands = 0 : i64, tpu.core_type = #tpu.core_type<tc>, window_params = [{transform_indices = @transform_0, window_bounds = array<i64: 50, 64, 128>}, {pipeline_mode = #tpu.pipeline_mode<synchronous>, transform_indices = @transform_1, window_bounds = array<i64: 50, 64, 128>}, {transform_indices = @transform_2, window_bounds = array<i64: 50, 64, 128>}]} {
    %get3A = arith.constant 0 : index
    %get3A_0 = arith.constant 0 : index
    %get3A_1 = arith.constant 0 : index
    %get3A_2 = vector.load %arg1[%get3A, %get3A_0, %get3A_1] : memref<50x64x128xf32, #tpu.memory_space<vmem>>, vector<50x64x128xf32>
    %mul3A = arith.constant 11.3137083 : f32
    %mul3A_3 = vector.broadcast %mul3A : f32 to vector<50x64x128xf32>
    %mul3A_4 = arith.mulf %get3A_2, %mul3A_3 : vector<50x64x128xf32>
    %get3A_5 = arith.constant 0 : index
    %get3A_6 = arith.constant 0 : index
    %get3A_7 = arith.constant 0 : index
    %get3A_8 = vector.load %arg2[%get3A_5, %get3A_6, %get3A_7] : memref<50x64x128xf32, #tpu.memory_space<vmem>>, vector<50x64x128xf32>
    %add3A = arith.addf %mul3A_4, %get3A_8 : vector<50x64x128xf32>
    %swap3A = arith.constant 0 : index
    %swap3A_9 = arith.constant 0 : index
    %swap3A_10 = arith.constant 0 : index
    %swap3A_11 = vector.load %arg3[%swap3A, %swap3A_9, %swap3A_10] : memref<50x64x128xf32, #tpu.memory_space<vmem>>, vector<50x64x128xf32>
    tpu.vector_store %arg3[%swap3A, %swap3A_9, %swap3A_10], %add3A {strides = array<i32>} : memref<50x64x128xf32, #tpu.memory_space<vmem>>, vector<50x64x128xf32>,
    return
  }
  func.func @transform_0(%arg0: i32) -> (i32, i32, i32) {
    %c0_i32 = arith.constant 0 : i32
    %c0_i32_0 = arith.constant 0 : i32
    %c0_i32_1 = arith.constant 0 : i32
    return %c0_i32, %arg0, %c0_i32_0 : i32, i32, i32
  }
  func.func @transform_1(%arg0: i32) -> (i32, i32, i32) {
    %c0_i32 = arith.constant 0 : i32
    %c0_i32_0 = arith.constant 0 : i32
    %c0_i32_1 = arith.constant 0 : i32
    %c0_i32_2 = arith.constant 0 : i32
    return %c0_i32, %c0_i32_0, %c0_i32_1 : i32, i32, i32
  }
  func.func @transform_2(%arg0: i32) -> (i32, i32, i32) {
    %add3A = arith.constant 0 : i32
    %add3A_0 = arith.addi %arg0, %add3A : i32
    %c0_i32 = arith.constant 0 : i32
    %c0_i32_1 = arith.constant 0 : i32
    %c0_i32_2 = arith.constant 0 : i32
    return %c0_i32, %add3A_0, %c0_i32_1 : i32, i32, i32
  }
}

module attributes {stable_mosaic.version = 14 : i64} {
  func.func @body(%arg0: i32, %arg1: memref<50x64x128xf32, #tpu.memory_space<vmem>>, %arg2: memref<50x64x128xf32, #tpu.memory_space<vmem>>, %arg3: memref<50x1024x128xf32, #tpu.memory_space<hbm>>, %arg4: memref<50x64x128xf32, #tpu.memory_space<vmem>>) attributes {dimension_semantics = [#tpu.dimension_semantics<arbitrary>], iteration_bounds = array<i64: 8>, scalar_prefetch = 0 : i64, scratch_operands = 0 : i64, tpu.core_type = #tpu.core_type<tc>, window_params = [{transform_indices = @transform_0, window_bounds = array<i64: 50, 64, 128>}, {pipeline_mode = #tpu.pipeline_mode<synchronous>, transform_indices = @transform_1, window_bounds = array<i64: 50, 64, 128>}, {}, {transform_indices = @transform_3, window_bounds = array<i64: 50, 64, 128>}]} {
    %get3A = arith.constant 0 : index
    %get3A_0 = arith.constant 0 : index
    %get3A_1 = arith.constant 0 : index
    %get3A_2 = vector.load %arg1[%get3A, %get3A_0, %get3A_1] : memref<50x64x128xf32, #tpu.memory_space<vmem>>, vector<50x64x128xf32>
    %mul3A = arith.constant 11.3137083 : f32
    %mul3A_3 = vector.broadcast %mul3A : f32 to vector<50x64x128xf32>
    %mul3A_4 = arith.mulf %get3A_2, %mul3A_3 : vector<50x64x128xf32>
    %get3A_5 = arith.constant 0 : index
    %get3A_6 = arith.constant 0 : index
    %get3A_7 = arith.constant 0 : index
    %get3A_8 = vector.load %arg2[%get3A_5, %get3A_6, %get3A_7] : memref<50x64x128xf32, #tpu.memory_space<vmem>>, vector<50x64x128xf32>
    %add3A = arith.addf %mul3A_4, %get3A_8 : vector<50x64x128xf32>
    %swap3A = arith.constant 0 : index
    %swap3A_9 = arith.constant 0 : index
    %swap3A_10 = arith.constant 0 : index
    %swap3A_11 = vector.load %arg4[%swap3A, %swap3A_9, %swap3A_10] : memref<50x64x128xf32, #tpu.memory_space<vmem>>, vector<50x64x128xf32>
    tpu.vector_store %arg4[%swap3A, %swap3A_9, %swap3A_10], %add3A {strides = array<i32>} : memref<50x64x128xf32, #tpu.memory_space<vmem>>, vector<50x64x128xf32>,
    return
  }
  func.func @transform_0(%arg0: i32) -> (i32, i32, i32) {
    %c0_i32 = arith.constant 0 : i32
    %c0_i32_0 = arith.constant 0 : i32
    %c0_i32_1 = arith.constant 0 : i32
    return %c0_i32, %arg0, %c0_i32_0 : i32, i32, i32
  }
  func.func @transform_1(%arg0: i32) -> (i32, i32, i32) {
    %c0_i32 = arith.constant 0 : i32
    %c0_i32_0 = arith.constant 0 : i32
    %c0_i32_1 = arith.constant 0 : i32
    %c0_i32_2 = arith.constant 0 : i32
    return %c0_i32, %c0_i32_0, %c0_i32_1 : i32, i32, i32
  }
  func.func @transform_3(%arg0: i32) -> (i32, i32, i32) {
    %add3A = arith.constant 8 : i32
    %add3A_0 = arith.addi %arg0, %add3A : i32
    %c0_i32 = arith.constant 0 : i32
    %c0_i32_1 = arith.constant 0 : i32
    %c0_i32_2 = arith.constant 0 : i32
    return %c0_i32, %add3A_0, %c0_i32_1 : i32, i32, i32
  }
}

</mosaic_0001>

<sc_bundles>
// kernel: kernel.6.cloned.1.call-start
scs
__scs_entry_jumppad:
0x0: {  	(pc) =	sbr.rel $0x88, $3  }
0x1: {  	(tag) =	ssettag $0x0;
	lr =	simm.s32 $0x1  }
0x2: {  	[smem:$0x3F9F] =	sst lr;
	_ =	strace $0xD0000000  }
0x3: {  	_ = 	snop  }
0x4: {  	_ = 	snop  }
0x5: {  	_ = 	snop  }
0x6: {  	_ = 	snop  }
0x7: {  	_ = 	snop  }
__scs_overlays_trampoline_lowered:
0x8: {  	[smem:$0x3FAE] =	sst s0  }
0x9: {  	[smem:$0x3FAF] =	sst s1  }
0xa: {  	[smem:$0x3FB0] =	sst s2  }
0xb: {  	[smem:$0x3FB1] =	sst s3  }
0xc: {  	[smem:$0x3FB2] =	sst s4  }
0xd: {  	[smem:$0x3FB3] =	sst s5  }
0xe: {  	[smem:$0x3FB4] =	sst s6  }
0xf: {  	[smem:$0x3FB5] =	sst s7  }
0x10: {  	[smem:$0x3FB6] =	sst s8  }
0x11: {  	[smem:$0x3FB7] =	sst s9;
	s0 =	simm.s32 @!p0 $0x0  }
0x12: {  	s1 =	sld [smem:$0x3F9D];
	s0 =	simm.s32 @p0 $0x1  }
0x13: {  	[smem:$0x3FB8] =	sst s0;
	s0 =	simm.s32 @!p1 $0x0  }
0x14: {  	s2 =	sld [smem:$0x3F9C];
	s0 =	simm.s32 @p1 $0x1  }
0x15: {  	[smem:$0x3FB9] =	sst s0;
	s0 =	simm.s32 @!p2 $0x0  }
0x16: {  	s3 =	sld [smem:$0x3FDB];
	s0 =	simm.s32 @p2 $0x1  }
0x17: {  	s4 =	simm.s32 $0x1BF5;
	[smem:$0x3FBB] =	sst s0  }
0x18: {  	s0 =	sld [smem:$0x3F9E];
	_ =	swait.ge [sflag:s4], $0x0  }
0x19: {  	s7 =	sld [smem:$0x3F9F]  }
0x1a: {  	s8 =	sadd.s32 $0xFFFFE003, lr  }
0x1b: {  	s9 =	sadd.s32 $0xFFFFFEF7, lr;
	s5 =	simm.s32 $0xFFFFFFFF;
	p2 =	slt.u32 s8, $0xFFFFF086  }
0x1c: {  	p1 =	slt.u32 s9, $0xF7A;
	s5 =	simm.s32 @!p2 $0x0  }
0x1d: {  	s5 =	simm.s32 @p1 $0x1;
	p0 =	seq.s32 s7, s2  }
0x1e: {  	s7 =	smul.u32 @!p0 $0xF7A, s2;
	p2 =	seq.s32 @!p0 s5, $0x0  }
0x1f: {  	s9 =	smul.u32 $0xF7A, s1;
	s8 =	simm.s32 @!p0 $0x1BF5;
	p2 =	por !p2, p0  }
0x20: {  	[sflag:s8] =	ssyncset.s32 @!p0 $0xFFFFF086;
	s6 =	sadd.s32 @!p0 s3, s7;
	s7 =	simm.s32 @!p0 $0x108  }
0x21: {  	s3 =	sadd.s32 s3, s9;
	s6 =	sadd.s32 @!p0 $0x88, s6;
	s7 =	simm.s32 @p2 $0x1082  }
0x22: {  	[simem:s7], [sflag:s8] =	dma.local @!p0 [hbm:s6], $0xF7A  }
0x23: {  	s9 =	sor.u32 $0xD0000000, s2;
	s6 =	simm.s32 $0x108;
	_ =	swait.ge @!p0 [sflag:s8], $0x0  }
0x24: {  	s3 =	sadd.s32 $0x88, s3;
	s6 =	simm.s32 @!p1 $0x1082;
	[sflag:s4] =	ssyncset.s32 $0xFFFFF086  }
0x25: {  	[simem:s6], [sflag:s4] =	dma.local [hbm:s3], $0xF7A  }
0x26: {  	[smem:$0x3F9F] =	sst s1;
	(tag) =	ssettag s2;
	_ =	strace s9  }
0x27: {  	s1 =	sld [smem:$0x3FAF]  }
0x28: {  	s2 =	sld [smem:$0x3FB0]  }
0x29: {  	s4 =	sld [smem:$0x3FB2]  }
0x2a: {  	p0 =	seq.s32 s5, $0x0;
	s5 =	sld [smem:$0x3FB3]  }
0x2b: {  	s6 =	sld [smem:$0x3FB4]  }
0x2c: {  	s7 =	sld [smem:$0x3FB5]  }
0x2d: {  	s3 =	simm.s32 $0x108;
	s8 =	sld [smem:$0x3FB6]  }
0x2e: {  	s3 =	simm.s32 @!p0 $0x1082;
	s9 =	sld [smem:$0x3FB7]  }
0x2f: {  	lr =	sadd.s32 s0, s3;
	s0 =	sld [smem:$0x3FAE]  }
0x30: {  	s3 =	sld [smem:$0x3FB1]  }
0x31: {  	[smem:$0x3FBA] =	sst s10  }
0x32: {  	s10 =	sld [smem:$0x3FB8];
	_ =	sdelay $0x3  }
0x33: {  	p0 =	seq.s32 s10, $0x1;
	s10 =	sld [smem:$0x3FBA];
	_ =	sdelay $0x3  }
0x34: {  	[smem:$0x3FBA] =	sst s10  }
0x35: {  	s10 =	sld [smem:$0x3FB9];
	_ =	sdelay $0x3  }
0x36: {  	p1 =	seq.s32 s10, $0x1;
	s10 =	sld [smem:$0x3FBA];
	_ =	sdelay $0x3  }
0x37: {  	[smem:$0x3FBA] =	sst s10  }
0x38: {  	s10 =	sld [smem:$0x3FBB]  }
0x39: {  	_ = 	snop;
	(pc) =	sbr.ind lr, $3  }
0x3a: {  	_ = 	snop  }
0x3b: {  	_ = 	snop  }
0x3c: {  	p2 =	seq.s32 s10, $0x1;
	s10 =	sld [smem:$0x3FBA]  }
0x3d: {  	_ =	shalt  }
0x3e: {  	_ =	shalt  }
0x3f: {  	_ =	shalt  }
0x40: {  	_ =	shalt  }
0x41: {  	_ =	shalt  }
0x42: {  	_ =	shalt  }
0x43: {  	_ =	shalt  }
0x44: {  	_ =	shalt  }
0x45: {  	_ =	shalt  }
0x46: {  	_ =	shalt  }
0x47: {  	_ =	shalt  }
0x48: {  	_ =	shalt  }
0x49: {  	_ =	shalt  }
0x4a: {  	_ =	shalt  }
0x4b: {  	_ =	shalt  }
0x4c: {  	_ =	shalt  }
0x4d: {  	_ =	shalt  }
0x4e: {  	_ =	shalt  }
0x4f: {  	_ =	shalt  }
0x50: {  	_ =	shalt  }
0x51: {  	_ =	shalt  }
0x52: {  	_ =	shalt  }
0x53: {  	_ =	shalt  }
0x54: {  	_ =	shalt  }
0x55: {  	_ =	shalt  }
0x56: {  	_ =	shalt  }
0x57: {  	_ =	shalt  }
0x58: {  	_ =	shalt  }
0x59: {  	_ =	shalt  }
0x5a: {  	_ =	shalt  }
0x5b: {  	_ =	shalt  }
0x5c: {  	_ =	shalt  }
0x5d: {  	_ =	shalt  }
0x5e: {  	_ =	shalt  }
0x5f: {  	_ =	shalt  }
0x60: {  	_ =	shalt  }
0x61: {  	_ =	shalt  }
0x62: {  	_ =	shalt  }
0x63: {  	_ =	shalt  }
0x64: {  	_ =	shalt  }
0x65: {  	_ =	shalt  }
0x66: {  	_ =	shalt  }
0x67: {  	_ =	shalt  }
0x68: {  	_ =	shalt  }
0x69: {  	_ =	shalt  }
0x6a: {  	_ =	shalt  }
0x6b: {  	_ =	shalt  }
0x6c: {  	_ =	shalt  }
0x6d: {  	_ =	shalt  }
0x6e: {  	_ =	shalt  }
0x6f: {  	_ =	shalt  }
0x70: {  	_ =	shalt  }
0x71: {  	_ =	shalt  }
0x72: {  	_ =	shalt  }
0x73: {  	_ =	shalt  }
0x74: {  	_ =	shalt  }
0x75: {  	_ =	shalt  }
0x76: {  	_ =	shalt  }
0x77: {  	_ =	shalt  }
0x78: {  	_ =	shalt  }
0x79: {  	_ =	shalt  }
0x7a: {  	_ =	shalt  }
0x7b: {  	_ =	shalt  }
0x7c: {  	_ =	shalt  }
0x7d: {  	_ =	shalt  }
0x7e: {  	_ =	shalt  }
0x7f: {  	_ =	shalt  }
0x80: {  	_ =	shalt  }
0x81: {  	_ =	shalt  }
0x82: {  	_ =	shalt  }
0x83: {  	_ =	shalt  }
0x84: {  	_ =	shalt  }
0x85: {  	_ =	shalt  }
0x86: {  	_ =	shalt  }
0x87: {  	_ =	shalt  }
.Lfunc_end0:
.L_simem_size_0:
called_computation_lowered:
.L_overlay_start_0:
0x88: {  	s2 =	sld [smem:$0x3FD9]  }
0x89: {  	s3 =	sld [smem:$0x3FFE];
	_ =	sdelay $0x1  }
0x8a: {  	s1 =	srdreg.scid  }
0x8b: {  	s0 =	sand.u32 $0x1, s1  }
0x8c: {  	s17 =	sshll.u32 s0, $0xA;
	s2 =	sadd.s32 s3, s2  }
0x8d: {  	s2 =	sadd.s32 s2, s17  }
0x8e: {  	[smem:$0x3FC6] =	sst s2  }
0x8f: {  	_ = 	snop  }
0x90: {  	s2 =	sld [smem:$0x3FC8]  }
0x91: {  	s18 =	sld [smem:$0x3FD0];
	(tm) =	ssettm $0x1  }
0x92: {  	s4 =	sld [smem:$0x3FFB];
	_ =	sdelay $0x3  }
0x93: {  	_ =	strace s4  }
0x94: {  	s4 =	sld [smem:$0x3FFC];
	_ =	sdelay $0x3  }
0x95: {  	_ =	strace s4  }
0x96: {  	s4 =	sld [smem:$0x3FFD];
	_ =	sdelay $0x3  }
0x97: {  	_ =	strace s4  }
0x98: {  	_ =	strace $0x8FFFFFFF  }
0x99: {  	s19 =	sld [smem:$0x3FDB];
	_ =	sdelay $0x1  }
0x9a: {  	s5 =	simm.s32 $_scs_section_size  }
0x9b: {  	s6 =	simm.s32 $_size__tile_overlayer_lowered;
	s7 =	simm.s32 $_tile_overlayer_lowered  }
0x9c: {  	s22 =	simm.s32 $0x1BFF;
	s21 =	sshll.u32 s7, $0x1;
	s4 =	sadd.s32 s5, s19  }
0x9d: {  	s8 =	simm.s32 $0x0;
	s20 =	sshll.u32 s6, $0x1;
	s6 =	sadd.s32 s21, s4  }
0x9e: {  	[timem:s8], [sflag:s22] =	dma.local [hbm:s6], s20  }
0x9f: {  	_ =	swait.ge [sflag:s22], s20  }
0xa0: {  	s5 =	ssub.s32 $0x0, s20;
	[sflag:s22] =	ssyncset.done $0x0  }
0xa1: {  	[sflag:s22] =	ssyncadd.s32 s5;
	_ =	sdelay $0x1  }
0xa2: {  	s23 =	simm.s32 $0x1B8B  }
0xa3: {  	_ =	swait.ge [sflag:s23], $0x1  }
0xa4: {  	[sflag:s23] =	ssyncset.done $0x0  }
0xa5: {  	s25 =	simm.s32 $0x1B8E;
	s24 =	sld [smem:$0x3FFE];
	[sflag:s23] =	ssyncadd.s32 $0xFFFFFFFF  }
0xa6: {  	s26 =	simm.s32 $execute0_lowered;
	[smem:$0x3FD2] =	sst s25  }
0xa7: {  	s6 =	sshll.u32 s26, $0x1;
	_ =	strace $0x80000046;
	[dreg:$0x1] =	wrdreg $0xFFFFFFFF  }
0xa8: {  	s28 =	simm.s32 $_size_execute0_lowered;
	s4 =	sadd.s32 s4, s6;
	[dreg:$0x0] =	wrdreg $0x0  }
0xa9: {  	s6 =	sshll.u32 s28, $0x1;
	[dreg:$0x2] =	wrdreg s4  }
0xaa: {  	[dreg:$0x3] =	wrdreg s6  }
0xab: {  	[dreg:$0x4] =	wrdreg $0xC0  }
0xac: {  	_ =	task [dreg:s8], $0x5FFFF  }
0xad: {  	[dreg:$0x1] =	wrdreg $0xFFFFFFFF  }
0xae: {  	[dreg:$0x0] =	wrdreg $0x60  }
0xaf: {  	[dreg:$0x2] =	wrdreg s2  }
0xb0: {  	[dreg:$0x3] =	wrdreg s24  }
0xb1: {  	[dreg:$0x4] =	wrdreg s18  }
0xb2: {  	[dreg:$0x5] =	wrdreg $0x9  }
0xb3: {  	_ =	task.clear_ibuf [dreg:s8], $0x6FFFF;
	_ =	strace $0x90000046  }
0xb4: {  	s29 =	simm.s32 $0x9;
	_ =	strace $0x80000048  }
0xb5: {  	_ =	swait.ge [sflag:s29], $0x1  }
0xb6: {  	[sflag:s29] =	ssyncadd.s32 $0xFFFFFFFF  }
0xb7: {  	_ =	strace $0x90000048  }
0xb8: {  	_ =	sfence  }
0xb9: {  	s30 =	sld [smem:$0x0];
	_ =	sdelay $0x2  }
0xba: {  	s31 =	sshll.u32 s1, $0xD;
	s1 =	sshrl.u32 s1, $0x2  }
0xbb: {  	s3 =	sand.u32 $0x4000, s31;
	s1 =	sadd.s32 s1, s30  }
0xbc: {  	s0 =	sor.u32 s3, s0;
	s1 =	sshll.u32 s1, $0x11  }
0xbd: {  	s0 =	sor.u32 s1, s0  }
0xbe: {  	s0 =	sadd.s32 $0x8F2B, s0  }
0xbf: {  	[sflag:s0] =	ssyncadd.remote.s32 $0x1  }
0xc0: {  	_ =	sfence.sel $0xFFFF  }
0xc1: {  	[dreg:$0x0] =	wrdreg $0xFFFFFFFF;
	(pc) =	sbr.abs _section_cstart, $3  }
0xc2: {  	[dreg:$0x1] =	wrdreg $0xFFFFFFFF  }
0xc3: {  	_ =	task.clear_ibuf [dreg:s8], $0x2FFFF;
	_ =	strace $0x9FFFFFFF  }
0xc4: {  	(tm) =	ssettm $0x7FFFFFFF  }
0xc5: {  	_ =	shalt  }
tec
execute0_lowered:
.L_overlay_start_1:
0x0: {  	(tag) =	ssettag $0x1  }
0x1: {  	s3 =	rddreg [dreg:$0x0]  }
0x2: {  	s1 =	rddreg [dreg:$0x1]  }
0x3: {  	s0 =	srdreg.scid;
	s2 =	rddreg [dreg:$0x2];
	s29 =	simm.s32 $0x0  }
0x4: {  	s17 =	stileid.u32;
	s6 =	simm.s32 $0x80;
	[smem:$0x7FF] =	sst s29  }
0x5: {  	s7 =	simm.s32 $0x100;
	_ =	strace $0x80000047;
	[dreg:$0x6] =	wrdreg s6  }
0x6: {  	s8 =	simm.s32 $0x180;
	s10 =	simm.s32 $0x880;
	[dreg:$0x7] =	wrdreg s7  }
0x7: {  	s11 =	simm.s32 $0x900;
	s12 =	simm.s32 $0x980;
	[dreg:$0x8] =	wrdreg s8  }
0x8: {  	s31 =	simm.s32 $0x9;
	s13 =	simm.s32 $0x200;
	[dreg:$0x9] =	wrdreg s10  }
0x9: {  	s30 =	simm.s32 $0x800;
	s14 =	simm.s32 $0x280;
	[dreg:$0xa] =	wrdreg s11  }
0xa: {  	s15 =	simm.s32 $0x300;
	s16 =	simm.s32 $0x380;
	[dreg:$0xb] =	wrdreg s12  }
0xb: {  	s18 =	simm.s32 $0xA00;
	s19 =	simm.s32 $0xA80;
	[dreg:$0xc] =	wrdreg s13  }
0xc: {  	s20 =	simm.s32 $0xB00;
	s21 =	simm.s32 $0xB80;
	[dreg:$0xd] =	wrdreg s14  }
0xd: {  	s22 =	simm.s32 $0x400;
	s23 =	simm.s32 $0x480;
	[dreg:$0xe] =	wrdreg s15  }
0xe: {  	s24 =	simm.s32 $0x500;
	s25 =	simm.s32 $0x580;
	[dreg:$0xf] =	wrdreg s16  }
0xf: {  	s26 =	simm.s32 $0xC00;
	s28 =	simm.s32 $0xD00;
	[dreg:$0x10] =	wrdreg s18  }
0x10: {  	p0 =	por $0x0, $0x0;
	s0 =	sand.u32 $0x1, s0;
	[dreg:$0x11] =	wrdreg s19  }
0x11: {  	s4 =	sshll.u32 s17, $0x9;
	s5 =	sshll.u32 s0, $0x8;
	[dreg:$0x12] =	wrdreg s20  }
0x12: {  	s0 =	ssub.s32 $0x2, s0;
	s8 =	simm.s32 $0x1000;
	[dreg:$0x13] =	wrdreg s21  }
0x13: {  	s7 =	simm.s32 $0x2C00;
	s6 =	simm.s32 $0x4800;
	[dreg:$0x14] =	wrdreg s22  }
0x14: {  	s16 =	simm.s32 $0x1;
	s15 =	simm.s32 $0x2;
	[dreg:$0x15] =	wrdreg s23  }
0x15: {  	s14 =	simm.s32 $0x3;
	s13 =	simm.s32 $0x4;
	[dreg:$0x16] =	wrdreg s24  }
0x16: {  	s10 =	simm.s32 $0x5;
	s11 =	simm.s32 $0x6;
	[dreg:$0x17] =	wrdreg s25  }
0x17: {  	s12 =	simm.s32 $0x7;
	[dreg:$0x18] =	wrdreg s26;
	s9 =	sshrl.u32 s0, $0x1  }
0x18: {  	s23 =	simm.s32 $0xC80;
	s26 =	simm.s32 $0xD80;
	s0 =	ssub.s32 s0, s9  }
0x19: {  	s25 =	simm.s32 $0x600;
	s24 =	simm.s32 $0x700;
	s0 =	smax.u32 s0, $0x1  }
0x1a: {  	s22 =	simm.s32 $0x780;
	s4 =	sor.u32 s5, s4;
	p1 =	sne.s32 s0, $0x1  }
.Ltmp0:
0x1b: {  	s21 =	simm.s32 $0xE00;
	s1 =	sadd.s32 s4, s1;
	(pc) =	sbr.rel @!p1 .LBB2_1-.Ltmp0, $4  }
0x1c: {  	s20 =	simm.s32 $0xE80;
	s19 =	simm.s32 $0xF00;
	s4 =	sadd.s32 $0x1000, s1  }
0x1d: {  	s18 =	simm.s32 $0xF80;
	s1 =	sadd.s32 $0x3000, s1;
	[dreg:$0x4] =	wrdreg s4  }
0x1e: {  	s5 =	simm.s32 $0x6400;
	s9 =	simm.s32 $0x8;
	[dreg:$0x5] =	wrdreg s1  }
0x1f: {  	s4 =	simm.s32 $0x32;
	s1 =	sadd.s32 $0xFFFFFFFF, s0;
	s0 =	rddreg [dreg:$0x4]  }
0x20: {  	[tilespmem:s29], [sflag:$0x9] =	stream.linear.gather [hbm4b:s0+s29], $0x800, $0x38;
	[tilespmem:$0x8000] =	vst v63  }
0x21: {  	_ =	swait.ge [sflag:s31], $0x800  }
0x22: {  	[sflag:s31] =	ssyncset.done $0x0  }
0x23: {  	s17 =	rddreg [dreg:$0x5];
	[sflag:s31] =	ssyncadd.s32 $0xFFFFF800  }
0x24: {  	[tilespmem:s30], [sflag:$0x9] =	stream.linear.gather [hbm4b:s17+s29], $0x800, $0x38;
	[tilespmem:$0x8000] =	vst v63  }
0x25: {  	_ =	swait.ge [sflag:s31], $0x800  }
0x26: {  	[sflag:s31] =	ssyncset.done $0x0  }
0x27: {  	[sflag:s31] =	ssyncadd.s32 $0xFFFFF800  }
0x28: {  	[tilespmem:s8], [sflag:$0x1] =	stream.indirect.gather [hbm4b:s3+s4], $0x80, s29, s4, $0xb8;
	[tilespmem:$0x8000] =	vst v63  }
0x29: {  	s0 =	rddreg [dreg:$0x6]  }
0x2a: {  	[tilespmem:s7], [sflag:$0x2] =	stream.indirect.gather [hbm4b:s3+s4], $0x80, s0, s4, $0xb8;
	[tilespmem:$0x8000] =	vst v63  }
0x2b: {  	s17 =	smov.u32 s1;
	s1 =	rddreg [dreg:$0x7]  }
0x2c: {  	[tilespmem:s6], [sflag:$0x3] =	stream.indirect.gather [hbm4b:s3+s4], $0x80, s1, s4, $0xb8;
	[tilespmem:$0x8000] =	vst v63  }
0x2d: {  	s0 =	rddreg [dreg:$0x8]  }
0x2e: {  	[tilespmem:s5], [sflag:$0x4] =	stream.indirect.gather [hbm4b:s3+s4], $0x80, s0, s4, $0xb8;
	[tilespmem:$0x8000] =	vst v63  }
0x2f: {  	_ =	swait.ge [sflag:s16], $0x1900  }
0x30: {  	[sflag:s16] =	ssyncset.done $0x0  }
0x31: {  	[sflag:s16] =	ssyncadd.s32 $0xFFFFE700  }
0x32: {  	[hbm4b:s2+s4] =	stream.indirect.scatter [tilespmem:s8], [sflag:$0x5], $0x80, s30, s4, $0xb8;
	[tilespmem:$0x8000] =	vst v63  }
0x33: {  	_ =	swait.ge [sflag:s15], $0x1900  }
0x34: {  	[sflag:s15] =	ssyncset.done $0x0  }
0x35: {  	s1 =	rddreg [dreg:$0x9];
	[sflag:s15] =	ssyncadd.s32 $0xFFFFE700  }
0x36: {  	[hbm4b:s2+s4] =	stream.indirect.scatter [tilespmem:s7], [sflag:$0x6], $0x80, s1, s4, $0xb8;
	[tilespmem:$0x8000] =	vst v63  }
0x37: {  	_ =	swait.ge [sflag:s14], $0x1900  }
0x38: {  	[sflag:s14] =	ssyncset.done $0x0  }
0x39: {  	s1 =	rddreg [dreg:$0xa];
	[sflag:s14] =	ssyncadd.s32 $0xFFFFE700  }
0x3a: {  	[hbm4b:s2+s4] =	stream.indirect.scatter [tilespmem:s6], [sflag:$0x7], $0x80, s1, s4, $0xb8;
	[tilespmem:$0x8000] =	vst v63  }
0x3b: {  	_ =	swait.ge [sflag:s13], $0x1900  }
0x3c: {  	[sflag:s13] =	ssyncset.done $0x0  }
0x3d: {  	s1 =	rddreg [dreg:$0xb];
	[sflag:s13] =	ssyncadd.s32 $0xFFFFE700  }
0x3e: {  	[hbm4b:s2+s4] =	stream.indirect.scatter [tilespmem:s5], [sflag:$0x8], $0x80, s1, s4, $0xb8;
	[tilespmem:$0x8000] =	vst v63  }
0x3f: {  	_ =	swait.ge [sflag:s10], $0x1900  }
0x40: {  	[sflag:s10] =	ssyncset.done $0x0  }
0x41: {  	s1 =	rddreg [dreg:$0xc];
	[sflag:s10] =	ssyncadd.s32 $0xFFFFE700  }
0x42: {  	[tilespmem:s8], [sflag:$0x1] =	stream.indirect.gather [hbm4b:s3+s4], $0x80, s1, s4, $0xb8;
	[tilespmem:$0x8000] =	vst v63  }
0x43: {  	_ =	swait.ge [sflag:s11], $0x1900  }
0x44: {  	[sflag:s11] =	ssyncset.done $0x0  }
0x45: {  	s1 =	rddreg [dreg:$0xd];
	[sflag:s11] =	ssyncadd.s32 $0xFFFFE700  }
0x46: {  	[tilespmem:s7], [sflag:$0x2] =	stream.indirect.gather [hbm4b:s3+s4], $0x80, s1, s4, $0xb8;
	[tilespmem:$0x8000] =	vst v63  }
0x47: {  	_ =	swait.ge [sflag:s12], $0x1900  }
0x48: {  	[sflag:s12] =	ssyncset.done $0x0  }
0x49: {  	s1 =	rddreg [dreg:$0xe];
	[sflag:s12] =	ssyncadd.s32 $0xFFFFE700  }
0x4a: {  	[tilespmem:s6], [sflag:$0x3] =	stream.indirect.gather [hbm4b:s3+s4], $0x80, s1, s4, $0xb8;
	[tilespmem:$0x8000] =	vst v63  }
0x4b: {  	_ =	swait.ge [sflag:s9], $0x1900  }
0x4c: {  	[sflag:s9] =	ssyncset.done $0x0  }
0x4d: {  	s1 =	rddreg [dreg:$0xf];
	[sflag:s9] =	ssyncadd.s32 $0xFFFFE700  }
0x4e: {  	[tilespmem:s5], [sflag:$0x4] =	stream.indirect.gather [hbm4b:s3+s4], $0x80, s1, s4, $0xb8;
	[tilespmem:$0x8000] =	vst v63  }
0x4f: {  	_ =	swait.ge [sflag:s16], $0x1900  }
0x50: {  	[sflag:s16] =	ssyncset.done $0x0  }
0x51: {  	s1 =	rddreg [dreg:$0x10];
	[sflag:s16] =	ssyncadd.s32 $0xFFFFE700  }
0x52: {  	[hbm4b:s2+s4] =	stream.indirect.scatter [tilespmem:s8], [sflag:$0x5], $0x80, s1, s4, $0xb8;
	[tilespmem:$0x8000] =	vst v63  }
0x53: {  	_ =	swait.ge [sflag:s15], $0x1900  }
0x54: {  	[sflag:s15] =	ssyncset.done $0x0  }
0x55: {  	s1 =	rddreg [dreg:$0x11];
	[sflag:s15] =	ssyncadd.s32 $0xFFFFE700  }
0x56: {  	[hbm4b:s2+s4] =	stream.indirect.scatter [tilespmem:s7], [sflag:$0x6], $0x80, s1, s4, $0xb8;
	[tilespmem:$0x8000] =	vst v63  }
0x57: {  	_ =	swait.ge [sflag:s14], $0x1900  }
0x58: {  	[sflag:s14] =	ssyncset.done $0x0  }
0x59: {  	s1 =	rddreg [dreg:$0x12];
	[sflag:s14] =	ssyncadd.s32 $0xFFFFE700  }
0x5a: {  	[hbm4b:s2+s4] =	stream.indirect.scatter [tilespmem:s6], [sflag:$0x7], $0x80, s1, s4, $0xb8;
	[tilespmem:$0x8000] =	vst v63  }
0x5b: {  	_ =	swait.ge [sflag:s13], $0x1900  }
0x5c: {  	[sflag:s13] =	ssyncset.done $0x0  }
0x5d: {  	s1 =	rddreg [dreg:$0x13];
	[sflag:s13] =	ssyncadd.s32 $0xFFFFE700  }
0x5e: {  	[hbm4b:s2+s4] =	stream.indirect.scatter [tilespmem:s5], [sflag:$0x8], $0x80, s1, s4, $0xb8;
	[tilespmem:$0x8000] =	vst v63  }
0x5f: {  	_ =	swait.ge [sflag:s10], $0x1900  }
0x60: {  	[sflag:s10] =	ssyncset.done $0x0  }
0x61: {  	s1 =	rddreg [dreg:$0x14];
	[sflag:s10] =	ssyncadd.s32 $0xFFFFE700  }
0x62: {  	[tilespmem:s8], [sflag:$0x1] =	stream.indirect.gather [hbm4b:s3+s4], $0x80, s1, s4, $0xb8;
	[tilespmem:$0x8000] =	vst v63  }
0x63: {  	_ =	swait.ge [sflag:s11], $0x1900  }
0x64: {  	[sflag:s11] =	ssyncset.done $0x0  }
0x65: {  	s1 =	rddreg [dreg:$0x15];
	[sflag:s11] =	ssyncadd.s32 $0xFFFFE700  }
0x66: {  	[tilespmem:s7], [sflag:$0x2] =	stream.indirect.gather [hbm4b:s3+s4], $0x80, s1, s4, $0xb8;
	[tilespmem:$0x8000] =	vst v63  }
0x67: {  	_ =	swait.ge [sflag:s12], $0x1900  }
0x68: {  	[sflag:s12] =	ssyncset.done $0x0  }
0x69: {  	s1 =	rddreg [dreg:$0x16];
	[sflag:s12] =	ssyncadd.s32 $0xFFFFE700  }
0x6a: {  	[tilespmem:s6], [sflag:$0x3] =	stream.indirect.gather [hbm4b:s3+s4], $0x80, s1, s4, $0xb8;
	[tilespmem:$0x8000] =	vst v63  }
0x6b: {  	_ =	swait.ge [sflag:s9], $0x1900  }
0x6c: {  	[sflag:s9] =	ssyncset.done $0x0  }
0x6d: {  	s1 =	rddreg [dreg:$0x17];
	[sflag:s9] =	ssyncadd.s32 $0xFFFFE700  }
0x6e: {  	[tilespmem:s5], [sflag:$0x4] =	stream.indirect.gather [hbm4b:s3+s4], $0x80, s1, s4, $0xb8;
	[tilespmem:$0x8000] =	vst v63  }
0x6f: {  	_ =	swait.ge [sflag:s16], $0x1900  }
0x70: {  	[sflag:s16] =	ssyncset.done $0x0  }
0x71: {  	s1 =	rddreg [dreg:$0x18];
	[sflag:s16] =	ssyncadd.s32 $0xFFFFE700  }
0x72: {  	[hbm4b:s2+s4] =	stream.indirect.scatter [tilespmem:s8], [sflag:$0x5], $0x80, s1, s4, $0xb8;
	[tilespmem:$0x8000] =	vst v63  }
0x73: {  	_ =	swait.ge [sflag:s15], $0x1900  }
0x74: {  	[sflag:s15] =	ssyncset.done $0x0  }
0x75: {  	[sflag:s15] =	ssyncadd.s32 $0xFFFFE700  }
0x76: {  	[hbm4b:s2+s4] =	stream.indirect.scatter [tilespmem:s7], [sflag:$0x6], $0x80, s23, s4, $0xb8;
	[tilespmem:$0x8000] =	vst v63  }
0x77: {  	_ =	swait.ge [sflag:s14], $0x1900  }
0x78: {  	[sflag:s14] =	ssyncset.done $0x0  }
0x79: {  	[sflag:s14] =	ssyncadd.s32 $0xFFFFE700  }
0x7a: {  	[hbm4b:s2+s4] =	stream.indirect.scatter [tilespmem:s6], [sflag:$0x7], $0x80, s28, s4, $0xb8;
	[tilespmem:$0x8000] =	vst v63  }
0x7b: {  	_ =	swait.ge [sflag:s13], $0x1900  }
0x7c: {  	[sflag:s13] =	ssyncset.done $0x0  }
0x7d: {  	[sflag:s13] =	ssyncadd.s32 $0xFFFFE700  }
0x7e: {  	[hbm4b:s2+s4] =	stream.indirect.scatter [tilespmem:s5], [sflag:$0x8], $0x80, s26, s4, $0xb8;
	[tilespmem:$0x8000] =	vst v63  }
0x7f: {  	_ =	swait.ge [sflag:s10], $0x1900  }
0x80: {  	[sflag:s10] =	ssyncset.done $0x0  }
0x81: {  	[sflag:s10] =	ssyncadd.s32 $0xFFFFE700  }
0x82: {  	[tilespmem:s8], [sflag:$0x1] =	stream.indirect.gather [hbm4b:s3+s4], $0x80, s25, s4, $0xb8;
	[tilespmem:$0x8000] =	vst v63  }
0x83: {  	_ =	swait.ge [sflag:s11], $0x1900  }
0x84: {  	[sflag:s11] =	ssyncset.done $0x0  }
0x85: {  	s1 =	simm.s32 $0x680;
	[sflag:s11] =	ssyncadd.s32 $0xFFFFE700  }
0x86: {  	[tilespmem:s7], [sflag:$0x2] =	stream.indirect.gather [hbm4b:s3+s4], $0x80, s1, s4, $0xb8;
	[tilespmem:$0x8000] =	vst v63  }
0x87: {  	_ =	swait.ge [sflag:s12], $0x1900  }
0x88: {  	[sflag:s12] =	ssyncset.done $0x0  }
0x89: {  	[sflag:s12] =	ssyncadd.s32 $0xFFFFE700  }
0x8a: {  	[tilespmem:s6], [sflag:$0x3] =	stream.indirect.gather [hbm4b:s3+s4], $0x80, s24, s4, $0xb8;
	[tilespmem:$0x8000] =	vst v63  }
0x8b: {  	_ =	swait.ge [sflag:s9], $0x1900  }
0x8c: {  	[sflag:s9] =	ssyncset.done $0x0  }
0x8d: {  	[sflag:s9] =	ssyncadd.s32 $0xFFFFE700  }
0x8e: {  	[tilespmem:s5], [sflag:$0x4] =	stream.indirect.gather [hbm4b:s3+s4], $0x80, s22, s4, $0xb8;
	[tilespmem:$0x8000] =	vst v63  }
0x8f: {  	_ =	swait.ge [sflag:s16], $0x1900  }
0x90: {  	[sflag:s16] =	ssyncset.done $0x0  }
0x91: {  	[sflag:s16] =	ssyncadd.s32 $0xFFFFE700  }
0x92: {  	[hbm4b:s2+s4] =	stream.indirect.scatter [tilespmem:s8], [sflag:$0x5], $0x80, s21, s4, $0xb8;
	[tilespmem:$0x8000] =	vst v63  }
0x93: {  	_ =	swait.ge [sflag:s15], $0x1900  }
0x94: {  	[sflag:s15] =	ssyncset.done $0x0  }
0x95: {  	[sflag:s15] =	ssyncadd.s32 $0xFFFFE700  }
0x96: {  	[hbm4b:s2+s4] =	stream.indirect.scatter [tilespmem:s7], [sflag:$0x6], $0x80, s20, s4, $0xb8;
	[tilespmem:$0x8000] =	vst v63  }
0x97: {  	_ =	swait.ge [sflag:s14], $0x1900  }
0x98: {  	[sflag:s14] =	ssyncset.done $0x0  }
0x99: {  	[sflag:s14] =	ssyncadd.s32 $0xFFFFE700  }
0x9a: {  	[hbm4b:s2+s4] =	stream.indirect.scatter [tilespmem:s6], [sflag:$0x7], $0x80, s19, s4, $0xb8;
	[tilespmem:$0x8000] =	vst v63  }
0x9b: {  	_ =	swait.ge [sflag:s13], $0x1900  }
0x9c: {  	[sflag:s13] =	ssyncset.done $0x0  }
0x9d: {  	[sflag:s13] =	ssyncadd.s32 $0xFFFFE700  }
0x9e: {  	[hbm4b:s2+s4] =	stream.indirect.scatter [tilespmem:s5], [sflag:$0x8], $0x80, s18, s4, $0xb8;
	[tilespmem:$0x8000] =	vst v63  }
0x9f: {  	_ =	swait.ge [sflag:s10], $0x1900  }
0xa0: {  	[sflag:s10] =	ssyncset.done $0x0  }
0xa1: {  	[sflag:s10] =	ssyncadd.s32 $0xFFFFE700  }
0xa2: {  	_ =	swait.ge [sflag:s11], $0x1900  }
0xa3: {  	[sflag:s11] =	ssyncset.done $0x0  }
0xa4: {  	p1 =	sne.s32 s17, $0x1;
	[sflag:s11] =	ssyncadd.s32 $0xFFFFE700  }
.Ltmp1:
0xa5: {  	_ =	swait.ge [sflag:s12], $0x1900;
	(pc) =	sbr.rel @!p1 .LBB2_3-.Ltmp1, $4  }
0xa6: {  	[sflag:s12] =	ssyncset.done $0x0  }
0xa7: {  	[sflag:s12] =	ssyncadd.s32 $0xFFFFE700  }
0xa8: {  	p0 =	por $0x1, $0x1;
	_ =	swait.ge [sflag:s9], $0x1900  }
0xa9: {  	s1 =	sadd.s32 $0xFFFFFFFF, s17;
	s0 =	rddreg [dreg:$0x4];
	[sflag:s9] =	ssyncset.done $0x0  }
.LBB2_4:
0xaa: {  	[sflag:s9] =	ssyncadd.s32 $0xFFFFE700  }
0xab: {  	[tilespmem:s29], [sflag:$0x9] =	stream.linear.gather [hbm4b:s0+s29], $0x800, $0x38;
	[tilespmem:$0x8000] =	vst v63  }
0xac: {  	_ =	swait.ge [sflag:s31], $0x800  }
0xad: {  	[sflag:s31] =	ssyncset.done $0x0  }
0xae: {  	s17 =	rddreg [dreg:$0x5];
	[sflag:s31] =	ssyncadd.s32 $0xFFFFF800  }
0xaf: {  	[tilespmem:s30], [sflag:$0x9] =	stream.linear.gather [hbm4b:s17+s29], $0x800, $0x38;
	[tilespmem:$0x8000] =	vst v63  }
0xb0: {  	_ =	swait.ge [sflag:s31], $0x800  }
0xb1: {  	[sflag:s31] =	ssyncset.done $0x0  }
0xb2: {  	[sflag:s31] =	ssyncadd.s32 $0xFFFFF800  }
0xb3: {  	[tilespmem:s8], [sflag:$0x1] =	stream.indirect.gather [hbm4b:s3+s4], $0x80, s29, s4, $0xb8;
	[tilespmem:$0x8000] =	vst v63  }
0xb4: {  	s0 =	rddreg [dreg:$0x6]  }
0xb5: {  	[tilespmem:s7], [sflag:$0x2] =	stream.indirect.gather [hbm4b:s3+s4], $0x80, s0, s4, $0xb8;
	[tilespmem:$0x8000] =	vst v63  }
0xb6: {  	s17 =	rddreg [dreg:$0x7]  }
0xb7: {  	[tilespmem:s6], [sflag:$0x3] =	stream.indirect.gather [hbm4b:s3+s4], $0x80, s17, s4, $0xb8;
	[tilespmem:$0x8000] =	vst v63  }
0xb8: {  	s0 =	rddreg [dreg:$0x8]  }
0xb9: {  	[tilespmem:s5], [sflag:$0x4] =	stream.indirect.gather [hbm4b:s3+s4], $0x80, s0, s4, $0xb8;
	[tilespmem:$0x8000] =	vst v63  }
0xba: {  	_ =	swait.ge [sflag:s16], $0x1900  }
0xbb: {  	[sflag:s16] =	ssyncset.done $0x0  }
0xbc: {  	[sflag:s16] =	ssyncadd.s32 $0xFFFFE700  }
0xbd: {  	[hbm4b:s2+s4] =	stream.indirect.scatter [tilespmem:s8], [sflag:$0x5], $0x80, s30, s4, $0xb8;
	[tilespmem:$0x8000] =	vst v63  }
0xbe: {  	_ =	swait.ge [sflag:s15], $0x1900  }
0xbf: {  	[sflag:s15] =	ssyncset.done $0x0  }
0xc0: {  	s17 =	rddreg [dreg:$0x9];
	[sflag:s15] =	ssyncadd.s32 $0xFFFFE700  }
0xc1: {  	[hbm4b:s2+s4] =	stream.indirect.scatter [tilespmem:s7], [sflag:$0x6], $0x80, s17, s4, $0xb8;
	[tilespmem:$0x8000] =	vst v63  }
0xc2: {  	_ =	swait.ge [sflag:s14], $0x1900  }
0xc3: {  	[sflag:s14] =	ssyncset.done $0x0  }
0xc4: {  	s17 =	rddreg [dreg:$0xa];
	[sflag:s14] =	ssyncadd.s32 $0xFFFFE700  }
0xc5: {  	[hbm4b:s2+s4] =	stream.indirect.scatter [tilespmem:s6], [sflag:$0x7], $0x80, s17, s4, $0xb8;
	[tilespmem:$0x8000] =	vst v63  }
0xc6: {  	_ =	swait.ge [sflag:s13], $0x1900  }
0xc7: {  	[sflag:s13] =	ssyncset.done $0x0  }
0xc8: {  	s17 =	rddreg [dreg:$0xb];
	[sflag:s13] =	ssyncadd.s32 $0xFFFFE700  }
0xc9: {  	[hbm4b:s2+s4] =	stream.indirect.scatter [tilespmem:s5], [sflag:$0x8], $0x80, s17, s4, $0xb8;
	[tilespmem:$0x8000] =	vst v63  }
0xca: {  	_ =	swait.ge [sflag:s10], $0x1900  }
0xcb: {  	[sflag:s10] =	ssyncset.done $0x0  }
0xcc: {  	s17 =	rddreg [dreg:$0xc];
	[sflag:s10] =	ssyncadd.s32 $0xFFFFE700  }
0xcd: {  	[tilespmem:s8], [sflag:$0x1] =	stream.indirect.gather [hbm4b:s3+s4], $0x80, s17, s4, $0xb8;
	[tilespmem:$0x8000] =	vst v63  }
0xce: {  	_ =	swait.ge [sflag:s11], $0x1900  }
0xcf: {  	[sflag:s11] =	ssyncset.done $0x0  }
0xd0: {  	s17 =	rddreg [dreg:$0xd];
	[sflag:s11] =	ssyncadd.s32 $0xFFFFE700  }
0xd1: {  	[tilespmem:s7], [sflag:$0x2] =	stream.indirect.gather [hbm4b:s3+s4], $0x80, s17, s4, $0xb8;
	[tilespmem:$0x8000] =	vst v63  }
0xd2: {  	_ =	swait.ge [sflag:s12], $0x1900  }
0xd3: {  	[sflag:s12] =	ssyncset.done $0x0  }
0xd4: {  	s17 =	rddreg [dreg:$0xe];
	[sflag:s12] =	ssyncadd.s32 $0xFFFFE700  }
0xd5: {  	[tilespmem:s6], [sflag:$0x3] =	stream.indirect.gather [hbm4b:s3+s4], $0x80, s17, s4, $0xb8;
	[tilespmem:$0x8000] =	vst v63  }
0xd6: {  	_ =	swait.ge [sflag:s9], $0x1900  }
0xd7: {  	[sflag:s9] =	ssyncset.done $0x0  }
0xd8: {  	s17 =	rddreg [dreg:$0xf];
	[sflag:s9] =	ssyncadd.s32 $0xFFFFE700  }
0xd9: {  	[tilespmem:s5], [sflag:$0x4] =	stream.indirect.gather [hbm4b:s3+s4], $0x80, s17, s4, $0xb8;
	[tilespmem:$0x8000] =	vst v63  }
0xda: {  	_ =	swait.ge [sflag:s16], $0x1900  }
0xdb: {  	[sflag:s16] =	ssyncset.done $0x0  }
0xdc: {  	s17 =	rddreg [dreg:$0x10];
	[sflag:s16] =	ssyncadd.s32 $0xFFFFE700  }
0xdd: {  	[hbm4b:s2+s4] =	stream.indirect.scatter [tilespmem:s8], [sflag:$0x5], $0x80, s17, s4, $0xb8;
	[tilespmem:$0x8000] =	vst v63  }
0xde: {  	_ =	swait.ge [sflag:s15], $0x1900  }
0xdf: {  	[sflag:s15] =	ssyncset.done $0x0  }
0xe0: {  	s17 =	rddreg [dreg:$0x11];
	[sflag:s15] =	ssyncadd.s32 $0xFFFFE700  }
0xe1: {  	[hbm4b:s2+s4] =	stream.indirect.scatter [tilespmem:s7], [sflag:$0x6], $0x80, s17, s4, $0xb8;
	[tilespmem:$0x8000] =	vst v63  }
0xe2: {  	_ =	swait.ge [sflag:s14], $0x1900  }
0xe3: {  	[sflag:s14] =	ssyncset.done $0x0  }
0xe4: {  	s17 =	rddreg [dreg:$0x12];
	[sflag:s14] =	ssyncadd.s32 $0xFFFFE700  }
0xe5: {  	[hbm4b:s2+s4] =	stream.indirect.scatter [tilespmem:s6], [sflag:$0x7], $0x80, s17, s4, $0xb8;
	[tilespmem:$0x8000] =	vst v63  }
0xe6: {  	_ =	swait.ge [sflag:s13], $0x1900  }
0xe7: {  	[sflag:s13] =	ssyncset.done $0x0  }
0xe8: {  	s17 =	rddreg [dreg:$0x13];
	[sflag:s13] =	ssyncadd.s32 $0xFFFFE700  }
0xe9: {  	[hbm4b:s2+s4] =	stream.indirect.scatter [tilespmem:s5], [sflag:$0x8], $0x80, s17, s4, $0xb8;
	[tilespmem:$0x8000] =	vst v63  }
0xea: {  	_ =	swait.ge [sflag:s10], $0x1900  }
0xeb: {  	[sflag:s10] =	ssyncset.done $0x0  }
0xec: {  	s17 =	rddreg [dreg:$0x14];
	[sflag:s10] =	ssyncadd.s32 $0xFFFFE700  }
0xed: {  	[tilespmem:s8], [sflag:$0x1] =	stream.indirect.gather [hbm4b:s3+s4], $0x80, s17, s4, $0xb8;
	[tilespmem:$0x8000] =	vst v63  }
0xee: {  	_ =	swait.ge [sflag:s11], $0x1900  }
0xef: {  	[sflag:s11] =	ssyncset.done $0x0  }
0xf0: {  	s17 =	rddreg [dreg:$0x15];
	[sflag:s11] =	ssyncadd.s32 $0xFFFFE700  }
0xf1: {  	[tilespmem:s7], [sflag:$0x2] =	stream.indirect.gather [hbm4b:s3+s4], $0x80, s17, s4, $0xb8;
	[tilespmem:$0x8000] =	vst v63  }
0xf2: {  	_ =	swait.ge [sflag:s12], $0x1900  }
0xf3: {  	[sflag:s12] =	ssyncset.done $0x0  }
0xf4: {  	s17 =	rddreg [dreg:$0x16];
	[sflag:s12] =	ssyncadd.s32 $0xFFFFE700  }
0xf5: {  	[tilespmem:s6], [sflag:$0x3] =	stream.indirect.gather [hbm4b:s3+s4], $0x80, s17, s4, $0xb8;
	[tilespmem:$0x8000] =	vst v63  }
0xf6: {  	_ =	swait.ge [sflag:s9], $0x1900  }
0xf7: {  	[sflag:s9] =	ssyncset.done $0x0  }
0xf8: {  	s17 =	rddreg [dreg:$0x17];
	[sflag:s9] =	ssyncadd.s32 $0xFFFFE700  }
0xf9: {  	[tilespmem:s5], [sflag:$0x4] =	stream.indirect.gather [hbm4b:s3+s4], $0x80, s17, s4, $0xb8;
	[tilespmem:$0x8000] =	vst v63  }
0xfa: {  	_ =	swait.ge [sflag:s16], $0x1900  }
0xfb: {  	[sflag:s16] =	ssyncset.done $0x0  }
0xfc: {  	s17 =	rddreg [dreg:$0x18];
	[sflag:s16] =	ssyncadd.s32 $0xFFFFE700  }
0xfd: {  	[hbm4b:s2+s4] =	stream.indirect.scatter [tilespmem:s8], [sflag:$0x5], $0x80, s17, s4, $0xb8;
	[tilespmem:$0x8000] =	vst v63  }
0xfe: {  	_ =	swait.ge [sflag:s15], $0x1900  }
0xff: {  	[sflag:s15] =	ssyncset.done $0x0  }
0x100: {  	[sflag:s15] =	ssyncadd.s32 $0xFFFFE700  }
0x101: {  	[hbm4b:s2+s4] =	stream.indirect.scatter [tilespmem:s7], [sflag:$0x6], $0x80, s23, s4, $0xb8;
	[tilespmem:$0x8000] =	vst v63  }
0x102: {  	_ =	swait.ge [sflag:s14], $0x1900  }
0x103: {  	[sflag:s14] =	ssyncset.done $0x0  }
0x104: {  	[sflag:s14] =	ssyncadd.s32 $0xFFFFE700  }
0x105: {  	[hbm4b:s2+s4] =	stream.indirect.scatter [tilespmem:s6], [sflag:$0x7], $0x80, s28, s4, $0xb8;
	[tilespmem:$0x8000] =	vst v63  }
0x106: {  	_ =	swait.ge [sflag:s13], $0x1900  }
0x107: {  	[sflag:s13] =	ssyncset.done $0x0  }
0x108: {  	[sflag:s13] =	ssyncadd.s32 $0xFFFFE700  }
0x109: {  	[hbm4b:s2+s4] =	stream.indirect.scatter [tilespmem:s5], [sflag:$0x8], $0x80, s26, s4, $0xb8;
	[tilespmem:$0x8000] =	vst v63  }
0x10a: {  	_ =	swait.ge [sflag:s10], $0x1900  }
0x10b: {  	[sflag:s10] =	ssyncset.done $0x0  }
0x10c: {  	[sflag:s10] =	ssyncadd.s32 $0xFFFFE700  }
0x10d: {  	[tilespmem:s8], [sflag:$0x1] =	stream.indirect.gather [hbm4b:s3+s4], $0x80, s25, s4, $0xb8;
	[tilespmem:$0x8000] =	vst v63  }
0x10e: {  	_ =	swait.ge [sflag:s11], $0x1900  }
0x10f: {  	[sflag:s11] =	ssyncset.done $0x0  }
0x110: {  	s17 =	simm.s32 $0x680;
	[sflag:s11] =	ssyncadd.s32 $0xFFFFE700  }
0x111: {  	[tilespmem:s7], [sflag:$0x2] =	stream.indirect.gather [hbm4b:s3+s4], $0x80, s17, s4, $0xb8;
	[tilespmem:$0x8000] =	vst v63  }
0x112: {  	_ =	swait.ge [sflag:s12], $0x1900  }
0x113: {  	[sflag:s12] =	ssyncset.done $0x0  }
0x114: {  	[sflag:s12] =	ssyncadd.s32 $0xFFFFE700  }
0x115: {  	[tilespmem:s6], [sflag:$0x3] =	stream.indirect.gather [hbm4b:s3+s4], $0x80, s24, s4, $0xb8;
	[tilespmem:$0x8000] =	vst v63  }
0x116: {  	_ =	swait.ge [sflag:s9], $0x1900  }
0x117: {  	[sflag:s9] =	ssyncset.done $0x0  }
0x118: {  	[sflag:s9] =	ssyncadd.s32 $0xFFFFE700  }
0x119: {  	[tilespmem:s5], [sflag:$0x4] =	stream.indirect.gather [hbm4b:s3+s4], $0x80, s22, s4, $0xb8;
	[tilespmem:$0x8000] =	vst v63  }
0x11a: {  	_ =	swait.ge [sflag:s16], $0x1900  }
0x11b: {  	[sflag:s16] =	ssyncset.done $0x0  }
0x11c: {  	[sflag:s16] =	ssyncadd.s32 $0xFFFFE700  }
0x11d: {  	[hbm4b:s2+s4] =	stream.indirect.scatter [tilespmem:s8], [sflag:$0x5], $0x80, s21, s4, $0xb8;
	[tilespmem:$0x8000] =	vst v63  }
0x11e: {  	_ =	swait.ge [sflag:s15], $0x1900  }
0x11f: {  	[sflag:s15] =	ssyncset.done $0x0  }
0x120: {  	[sflag:s15] =	ssyncadd.s32 $0xFFFFE700  }
0x121: {  	[hbm4b:s2+s4] =	stream.indirect.scatter [tilespmem:s7], [sflag:$0x6], $0x80, s20, s4, $0xb8;
	[tilespmem:$0x8000] =	vst v63  }
0x122: {  	_ =	swait.ge [sflag:s14], $0x1900  }
0x123: {  	[sflag:s14] =	ssyncset.done $0x0  }
0x124: {  	[sflag:s14] =	ssyncadd.s32 $0xFFFFE700  }
0x125: {  	[hbm4b:s2+s4] =	stream.indirect.scatter [tilespmem:s6], [sflag:$0x7], $0x80, s19, s4, $0xb8;
	[tilespmem:$0x8000] =	vst v63  }
0x126: {  	_ =	swait.ge [sflag:s13], $0x1900  }
0x127: {  	[sflag:s13] =	ssyncset.done $0x0  }
0x128: {  	[sflag:s13] =	ssyncadd.s32 $0xFFFFE700  }
0x129: {  	[hbm4b:s2+s4] =	stream.indirect.scatter [tilespmem:s5], [sflag:$0x8], $0x80, s18, s4, $0xb8;
	[tilespmem:$0x8000] =	vst v63  }
0x12a: {  	_ =	swait.ge [sflag:s10], $0x1900  }
0x12b: {  	[sflag:s10] =	ssyncset.done $0x0  }
0x12c: {  	[sflag:s10] =	ssyncadd.s32 $0xFFFFE700  }
0x12d: {  	_ =	swait.ge [sflag:s11], $0x1900  }
0x12e: {  	[sflag:s11] =	ssyncset.done $0x0  }
0x12f: {  	p1 =	sne.s32 s1, $0x1;
	[sflag:s11] =	ssyncadd.s32 $0xFFFFE700  }
.Ltmp2:
0x130: {  	_ =	swait.ge [sflag:s12], $0x1900;
	(pc) =	sbr.rel @p1 .LBB2_4-.Ltmp2, $4  }
0x131: {  	[sflag:s12] =	ssyncset.done $0x0  }
0x132: {  	[sflag:s12] =	ssyncadd.s32 $0xFFFFE700  }
0x133: {  	_ =	swait.ge [sflag:s9], $0x1900  }
0x134: {  	s1 =	sadd.s32 $0xFFFFFFFF, s1;
	s0 =	rddreg [dreg:$0x4];
	[sflag:s9] =	ssyncset.done $0x0  }
0x135: {  	s18 =	simm.s32 $0xC80;
	s28 =	simm.s32 $0xD00  }
0x136: {  	s26 =	simm.s32 $0xD80;
	s25 =	simm.s32 $0x600;
	s24 =	simm.s32 $0x700  }
0x137: {  	s23 =	simm.s32 $0x680;
	s22 =	simm.s32 $0x780;
	s21 =	simm.s32 $0xE00  }
0x138: {  	s20 =	simm.s32 $0xE80;
	s19 =	simm.s32 $0xF00;
	s17 =	stileid.u32  }
.LBB2_6:
0x139: {  	[sflag:s9] =	ssyncadd.s32 @p0 $0xFFFFE700  }
0x13a: {  	[tilespmem:s29], [sflag:$0x9] =	stream.linear.gather [hbm4b:s0+s29], $0x800, $0x38;
	[tilespmem:$0x8000] =	vst v63  }
0x13b: {  	_ =	swait.ge [sflag:s31], $0x800  }
0x13c: {  	[sflag:s31] =	ssyncset.done $0x0  }
0x13d: {  	s1 =	rddreg [dreg:$0x5];
	[sflag:s31] =	ssyncadd.s32 $0xFFFFF800  }
0x13e: {  	[tilespmem:s30], [sflag:$0x9] =	stream.linear.gather [hbm4b:s1+s29], $0x800, $0x38;
	[tilespmem:$0x8000] =	vst v63  }
0x13f: {  	_ =	swait.ge [sflag:s31], $0x800  }
0x140: {  	[sflag:s31] =	ssyncset.done $0x0  }
0x141: {  	[sflag:s31] =	ssyncadd.s32 $0xFFFFF800  }
0x142: {  	[tilespmem:s8], [sflag:$0x1] =	stream.indirect.gather [hbm4b:s3+s4], $0x80, s29, s4, $0xb8;
	[tilespmem:$0x8000] =	vst v63  }
0x143: {  	s31 =	rddreg [dreg:$0x6]  }
0x144: {  	[tilespmem:s7], [sflag:$0x2] =	stream.indirect.gather [hbm4b:s3+s4], $0x80, s31, s4, $0xb8;
	[tilespmem:$0x8000] =	vst v63  }
0x145: {  	s1 =	rddreg [dreg:$0x7]  }
0x146: {  	[tilespmem:s6], [sflag:$0x3] =	stream.indirect.gather [hbm4b:s3+s4], $0x80, s1, s4, $0xb8;
	[tilespmem:$0x8000] =	vst v63  }
0x147: {  	s29 =	rddreg [dreg:$0x8]  }
0x148: {  	[tilespmem:s5], [sflag:$0x4] =	stream.indirect.gather [hbm4b:s3+s4], $0x80, s29, s4, $0xb8;
	[tilespmem:$0x8000] =	vst v63  }
0x149: {  	_ =	swait.ge [sflag:s16], $0x1900  }
0x14a: {  	[sflag:s16] =	ssyncset.done $0x0  }
0x14b: {  	[sflag:s16] =	ssyncadd.s32 $0xFFFFE700  }
0x14c: {  	[hbm4b:s2+s4] =	stream.indirect.scatter [tilespmem:s8], [sflag:$0x5], $0x80, s30, s4, $0xb8;
	[tilespmem:$0x8000] =	vst v63  }
0x14d: {  	_ =	swait.ge [sflag:s15], $0x1900  }
0x14e: {  	[sflag:s15] =	ssyncset.done $0x0  }
0x14f: {  	s31 =	rddreg [dreg:$0x9];
	[sflag:s15] =	ssyncadd.s32 $0xFFFFE700  }
0x150: {  	[hbm4b:s2+s4] =	stream.indirect.scatter [tilespmem:s7], [sflag:$0x6], $0x80, s31, s4, $0xb8;
	[tilespmem:$0x8000] =	vst v63  }
0x151: {  	_ =	swait.ge [sflag:s14], $0x1900  }
0x152: {  	[sflag:s14] =	ssyncset.done $0x0  }
0x153: {  	s1 =	rddreg [dreg:$0xa];
	[sflag:s14] =	ssyncadd.s32 $0xFFFFE700  }
0x154: {  	[hbm4b:s2+s4] =	stream.indirect.scatter [tilespmem:s6], [sflag:$0x7], $0x80, s1, s4, $0xb8;
	[tilespmem:$0x8000] =	vst v63  }
0x155: {  	_ =	swait.ge [sflag:s13], $0x1900  }
0x156: {  	[sflag:s13] =	ssyncset.done $0x0  }
0x157: {  	s29 =	rddreg [dreg:$0xb];
	[sflag:s13] =	ssyncadd.s32 $0xFFFFE700  }
0x158: {  	[hbm4b:s2+s4] =	stream.indirect.scatter [tilespmem:s5], [sflag:$0x8], $0x80, s29, s4, $0xb8;
	[tilespmem:$0x8000] =	vst v63  }
0x159: {  	_ =	swait.ge [sflag:s10], $0x1900  }
0x15a: {  	[sflag:s10] =	ssyncset.done $0x0  }
0x15b: {  	s30 =	rddreg [dreg:$0xc];
	[sflag:s10] =	ssyncadd.s32 $0xFFFFE700  }
0x15c: {  	[tilespmem:s8], [sflag:$0x1] =	stream.indirect.gather [hbm4b:s3+s4], $0x80, s30, s4, $0xb8;
	[tilespmem:$0x8000] =	vst v63  }
0x15d: {  	_ =	swait.ge [sflag:s11], $0x1900  }
0x15e: {  	[sflag:s11] =	ssyncset.done $0x0  }
0x15f: {  	s31 =	rddreg [dreg:$0xd];
	[sflag:s11] =	ssyncadd.s32 $0xFFFFE700  }
0x160: {  	[tilespmem:s7], [sflag:$0x2] =	stream.indirect.gather [hbm4b:s3+s4], $0x80, s31, s4, $0xb8;
	[tilespmem:$0x8000] =	vst v63  }
0x161: {  	_ =	swait.ge [sflag:s12], $0x1900  }
0x162: {  	[sflag:s12] =	ssyncset.done $0x0  }
0x163: {  	s1 =	rddreg [dreg:$0xe];
	[sflag:s12] =	ssyncadd.s32 $0xFFFFE700  }
0x164: {  	[tilespmem:s6], [sflag:$0x3] =	stream.indirect.gather [hbm4b:s3+s4], $0x80, s1, s4, $0xb8;
	[tilespmem:$0x8000] =	vst v63  }
0x165: {  	_ =	swait.ge [sflag:s9], $0x1900  }
0x166: {  	[sflag:s9] =	ssyncset.done $0x0  }
0x167: {  	s29 =	rddreg [dreg:$0xf];
	[sflag:s9] =	ssyncadd.s32 $0xFFFFE700  }
0x168: {  	[tilespmem:s5], [sflag:$0x4] =	stream.indirect.gather [hbm4b:s3+s4], $0x80, s29, s4, $0xb8;
	[tilespmem:$0x8000] =	vst v63  }
0x169: {  	_ =	swait.ge [sflag:s16], $0x1900  }
0x16a: {  	[sflag:s16] =	ssyncset.done $0x0  }
0x16b: {  	s30 =	rddreg [dreg:$0x10];
	[sflag:s16] =	ssyncadd.s32 $0xFFFFE700  }
0x16c: {  	[hbm4b:s2+s4] =	stream.indirect.scatter [tilespmem:s8], [sflag:$0x5], $0x80, s30, s4, $0xb8;
	[tilespmem:$0x8000] =	vst v63  }
0x16d: {  	_ =	swait.ge [sflag:s15], $0x1900  }
0x16e: {  	[sflag:s15] =	ssyncset.done $0x0  }
0x16f: {  	s31 =	rddreg [dreg:$0x11];
	[sflag:s15] =	ssyncadd.s32 $0xFFFFE700  }
0x170: {  	[hbm4b:s2+s4] =	stream.indirect.scatter [tilespmem:s7], [sflag:$0x6], $0x80, s31, s4, $0xb8;
	[tilespmem:$0x8000] =	vst v63  }
0x171: {  	_ =	swait.ge [sflag:s14], $0x1900  }
0x172: {  	[sflag:s14] =	ssyncset.done $0x0  }
0x173: {  	s1 =	rddreg [dreg:$0x12];
	[sflag:s14] =	ssyncadd.s32 $0xFFFFE700  }
0x174: {  	[hbm4b:s2+s4] =	stream.indirect.scatter [tilespmem:s6], [sflag:$0x7], $0x80, s1, s4, $0xb8;
	[tilespmem:$0x8000] =	vst v63  }
0x175: {  	_ =	swait.ge [sflag:s13], $0x1900  }
0x176: {  	[sflag:s13] =	ssyncset.done $0x0  }
0x177: {  	s29 =	rddreg [dreg:$0x13];
	[sflag:s13] =	ssyncadd.s32 $0xFFFFE700  }
0x178: {  	[hbm4b:s2+s4] =	stream.indirect.scatter [tilespmem:s5], [sflag:$0x8], $0x80, s29, s4, $0xb8;
	[tilespmem:$0x8000] =	vst v63  }
0x179: {  	_ =	swait.ge [sflag:s10], $0x1900  }
0x17a: {  	[sflag:s10] =	ssyncset.done $0x0  }
0x17b: {  	s30 =	rddreg [dreg:$0x14];
	[sflag:s10] =	ssyncadd.s32 $0xFFFFE700  }
0x17c: {  	[tilespmem:s8], [sflag:$0x1] =	stream.indirect.gather [hbm4b:s3+s4], $0x80, s30, s4, $0xb8;
	[tilespmem:$0x8000] =	vst v63  }
0x17d: {  	_ =	swait.ge [sflag:s11], $0x1900  }
0x17e: {  	[sflag:s11] =	ssyncset.done $0x0  }
0x17f: {  	s31 =	rddreg [dreg:$0x15];
	[sflag:s11] =	ssyncadd.s32 $0xFFFFE700  }
0x180: {  	[tilespmem:s7], [sflag:$0x2] =	stream.indirect.gather [hbm4b:s3+s4], $0x80, s31, s4, $0xb8;
	[tilespmem:$0x8000] =	vst v63  }
0x181: {  	_ =	swait.ge [sflag:s12], $0x1900  }
0x182: {  	[sflag:s12] =	ssyncset.done $0x0  }
0x183: {  	s1 =	rddreg [dreg:$0x16];
	[sflag:s12] =	ssyncadd.s32 $0xFFFFE700  }
0x184: {  	[tilespmem:s6], [sflag:$0x3] =	stream.indirect.gather [hbm4b:s3+s4], $0x80, s1, s4, $0xb8;
	[tilespmem:$0x8000] =	vst v63  }
0x185: {  	_ =	swait.ge [sflag:s9], $0x1900  }
0x186: {  	[sflag:s9] =	ssyncset.done $0x0  }
0x187: {  	s29 =	rddreg [dreg:$0x17];
	[sflag:s9] =	ssyncadd.s32 $0xFFFFE700  }
0x188: {  	[tilespmem:s5], [sflag:$0x4] =	stream.indirect.gather [hbm4b:s3+s4], $0x80, s29, s4, $0xb8;
	[tilespmem:$0x8000] =	vst v63  }
0x189: {  	_ =	swait.ge [sflag:s16], $0x1900  }
0x18a: {  	[sflag:s16] =	ssyncset.done $0x0  }
0x18b: {  	s30 =	rddreg [dreg:$0x18];
	[sflag:s16] =	ssyncadd.s32 $0xFFFFE700  }
0x18c: {  	[hbm4b:s2+s4] =	stream.indirect.scatter [tilespmem:s8], [sflag:$0x5], $0x80, s30, s4, $0xb8;
	[tilespmem:$0x8000] =	vst v63  }
0x18d: {  	_ =	swait.ge [sflag:s15], $0x1900  }
0x18e: {  	[sflag:s15] =	ssyncset.done $0x0  }
0x18f: {  	[sflag:s15] =	ssyncadd.s32 $0xFFFFE700  }
0x190: {  	[hbm4b:s2+s4] =	stream.indirect.scatter [tilespmem:s7], [sflag:$0x6], $0x80, s18, s4, $0xb8;
	[tilespmem:$0x8000] =	vst v63  }
0x191: {  	_ =	swait.ge [sflag:s14], $0x1900  }
0x192: {  	[sflag:s14] =	ssyncset.done $0x0  }
0x193: {  	[sflag:s14] =	ssyncadd.s32 $0xFFFFE700  }
0x194: {  	[hbm4b:s2+s4] =	stream.indirect.scatter [tilespmem:s6], [sflag:$0x7], $0x80, s28, s4, $0xb8;
	[tilespmem:$0x8000] =	vst v63  }
0x195: {  	_ =	swait.ge [sflag:s13], $0x1900  }
0x196: {  	[sflag:s13] =	ssyncset.done $0x0  }
0x197: {  	[sflag:s13] =	ssyncadd.s32 $0xFFFFE700  }
0x198: {  	[hbm4b:s2+s4] =	stream.indirect.scatter [tilespmem:s5], [sflag:$0x8], $0x80, s26, s4, $0xb8;
	[tilespmem:$0x8000] =	vst v63  }
0x199: {  	_ =	swait.ge [sflag:s10], $0x1900  }
0x19a: {  	[sflag:s10] =	ssyncset.done $0x0  }
0x19b: {  	[sflag:s10] =	ssyncadd.s32 $0xFFFFE700  }
0x19c: {  	[tilespmem:s8], [sflag:$0x1] =	stream.indirect.gather [hbm4b:s3+s4], $0x80, s25, s4, $0xb8;
	[tilespmem:$0x8000] =	vst v63  }
0x19d: {  	_ =	swait.ge [sflag:s11], $0x1900  }
0x19e: {  	[sflag:s11] =	ssyncset.done $0x0  }
0x19f: {  	[sflag:s11] =	ssyncadd.s32 $0xFFFFE700  }
0x1a0: {  	[tilespmem:s7], [sflag:$0x2] =	stream.indirect.gather [hbm4b:s3+s4], $0x80, s23, s4, $0xb8;
	[tilespmem:$0x8000] =	vst v63  }
0x1a1: {  	_ =	swait.ge [sflag:s12], $0x1900  }
0x1a2: {  	[sflag:s12] =	ssyncset.done $0x0  }
0x1a3: {  	[sflag:s12] =	ssyncadd.s32 $0xFFFFE700  }
0x1a4: {  	[tilespmem:s6], [sflag:$0x3] =	stream.indirect.gather [hbm4b:s3+s4], $0x80, s24, s4, $0xb8;
	[tilespmem:$0x8000] =	vst v63  }
0x1a5: {  	_ =	swait.ge [sflag:s9], $0x1900  }
0x1a6: {  	[sflag:s9] =	ssyncset.done $0x0  }
0x1a7: {  	[sflag:s9] =	ssyncadd.s32 $0xFFFFE700  }
0x1a8: {  	[tilespmem:s5], [sflag:$0x4] =	stream.indirect.gather [hbm4b:s3+s4], $0x80, s22, s4, $0xb8;
	[tilespmem:$0x8000] =	vst v63  }
0x1a9: {  	_ =	swait.ge [sflag:s16], $0x1900  }
0x1aa: {  	[sflag:s16] =	ssyncset.done $0x0  }
0x1ab: {  	[sflag:s16] =	ssyncadd.s32 $0xFFFFE700  }
0x1ac: {  	[hbm4b:s2+s4] =	stream.indirect.scatter [tilespmem:s8], [sflag:$0x5], $0x80, s21, s4, $0xb8;
	[tilespmem:$0x8000] =	vst v63  }
0x1ad: {  	_ =	swait.ge [sflag:s15], $0x1900  }
0x1ae: {  	[sflag:s15] =	ssyncset.done $0x0  }
0x1af: {  	[sflag:s15] =	ssyncadd.s32 $0xFFFFE700  }
0x1b0: {  	[hbm4b:s2+s4] =	stream.indirect.scatter [tilespmem:s7], [sflag:$0x6], $0x80, s20, s4, $0xb8;
	[tilespmem:$0x8000] =	vst v63  }
0x1b1: {  	_ =	swait.ge [sflag:s14], $0x1900  }
0x1b2: {  	[sflag:s14] =	ssyncset.done $0x0  }
0x1b3: {  	[sflag:s14] =	ssyncadd.s32 $0xFFFFE700  }
0x1b4: {  	[hbm4b:s2+s4] =	stream.indirect.scatter [tilespmem:s6], [sflag:$0x7], $0x80, s19, s4, $0xb8;
	[tilespmem:$0x8000] =	vst v63  }
0x1b5: {  	_ =	swait.ge [sflag:s13], $0x1900  }
0x1b6: {  	[sflag:s13] =	ssyncset.done $0x0  }
0x1b7: {  	s31 =	simm.s32 $0xF80;
	[sflag:s13] =	ssyncadd.s32 $0xFFFFE700  }
0x1b8: {  	[hbm4b:s2+s4] =	stream.indirect.scatter [tilespmem:s5], [sflag:$0x8], $0x80, s31, s4, $0xb8;
	[tilespmem:$0x8000] =	vst v63  }
0x1b9: {  	_ =	swait.ge [sflag:s10], $0x1900  }
0x1ba: {  	[sflag:s10] =	ssyncset.done $0x0  }
0x1bb: {  	[sflag:s10] =	ssyncadd.s32 $0xFFFFE700  }
0x1bc: {  	_ =	swait.ge [sflag:s11], $0x1900  }
0x1bd: {  	[sflag:s11] =	ssyncset.done $0x0  }
0x1be: {  	[sflag:s11] =	ssyncadd.s32 $0xFFFFE700  }
0x1bf: {  	_ =	swait.ge [sflag:s12], $0x1900  }
0x1c0: {  	[sflag:s12] =	ssyncset.done $0x0  }
0x1c1: {  	[sflag:s12] =	ssyncadd.s32 $0xFFFFE700  }
0x1c2: {  	_ =	swait.ge [sflag:s9], $0x1900  }
0x1c3: {  	[sflag:s9] =	ssyncset.done $0x0  }
0x1c4: {  	[sflag:s9] =	ssyncadd.s32 $0xFFFFE700  }
0x1c5: {  	_ =	sfence.sel $0x180000  }
0x1c6: {  	[bflag:$0x0] =	sbarrier.arrive $0xFFFF  }
0x1c7: {  	_ =	strace $0x90000047  }
0x1c8: {  	[bflag:$0x2] =	sbarrier.arrive $0xFFFF  }
0x1c9: {  	p0 =	sne.s32 s17, $0x0;
	s0 =	rddreg [dreg:$0x3]  }
0x1ca: {  	s0 =	sadd.s32 @!p0 $0x100000, s0  }
0x1cb: {  	[sflag:s0] =	ssyncadd.tile.s32 @!p0 $0x1;
	_ =	shalt  }
.LBB2_1:
.Ltmp3:
0x1cc: {  	(pc) =	sbr.rel .LBB2_6-.Ltmp3, $4  }
0x1cd: {  	s18 =	simm.s32 $0xC80  }
0x1ce: {  	s28 =	simm.s32 $0xD00;
	s26 =	simm.s32 $0xD80;
	s25 =	simm.s32 $0x600  }
0x1cf: {  	s24 =	simm.s32 $0x700;
	s23 =	simm.s32 $0x680;
	s22 =	simm.s32 $0x780  }
0x1d0: {  	s21 =	simm.s32 $0xE00;
	s20 =	simm.s32 $0xE80;
	s19 =	simm.s32 $0xF00  }
.LBB2_3:
.Ltmp4:
0x1d1: {  	(pc) =	sbr.rel .LBB2_6-.Ltmp4, $4  }
0x1d2: {  	s18 =	simm.s32 $0xC80;
	s28 =	simm.s32 $0xD00  }
0x1d3: {  	s26 =	simm.s32 $0xD80;
	s25 =	simm.s32 $0x600;
	s24 =	simm.s32 $0x700  }
0x1d4: {  	s23 =	simm.s32 $0x680;
	s22 =	simm.s32 $0x780;
	s21 =	simm.s32 $0xE00  }
0x1d5: {  	s20 =	simm.s32 $0xE80;
	s19 =	simm.s32 $0xF00;
	s17 =	stileid.u32  }
.Lfunc_end2:
_tile_overlayer_lowered:
.L_overlay_start_2:
0x1d6: {  	(tag) =	ssettag $0x2  }
0x1d7: {  	s0 =	rddreg [dreg:$0x0];
	s2 =	stileid.u32  }
0x1d8: {  	s1 =	rddreg [dreg:$0x1];
	p0 =	sne.s32 s2, $0x0  }
0x1d9: {  	s3 =	rddreg [dreg:$0x2];
	[bflag:$0x3] =	sbarrier.arrive $0xFFFF;
	s2 =	simm.s32 @!p0 $0x1C09  }
0x1da: {  	[timem:s3], [sflag:s2] =	dma.local @!p0 [hbm:s0], s1  }
0x1db: {  	s0 =	simm.s32 @!p0 $0x9  }
0x1dc: {  	_ =	swait.ge @!p0 [sflag:s0], s1  }
0x1dd: {  	s1 =	ssub.s32 @!p0 $0x0, s1;
	[sflag:s0] =	ssyncset.done @!p0 $0x0  }
0x1de: {  	[sflag:s0] =	ssyncadd.s32 @!p0 s1  }
0x1df: {  	[bflag:$0x3] =	sbarrier.arrive $0xFFFF  }
0x1e0: {  	_ =	shalt  }

// kernel: kernel.9.cloned.1.call-start
scs
__scs_entry_jumppad:
0x0: {  	(pc) =	sbr.rel $0x88, $3  }
0x1: {  	(tag) =	ssettag $0x0;
	lr =	simm.s32 $0x1  }
0x2: {  	[smem:$0x3F9F] =	sst lr;
	_ =	strace $0xD0000000  }
0x3: {  	_ = 	snop  }
0x4: {  	_ = 	snop  }
0x5: {  	_ = 	snop  }
0x6: {  	_ = 	snop  }
0x7: {  	_ = 	snop  }
__scs_overlays_trampoline_lowered:
0x8: {  	[smem:$0x3FAE] =	sst s0  }
0x9: {  	[smem:$0x3FAF] =	sst s1  }
0xa: {  	[smem:$0x3FB0] =	sst s2  }
0xb: {  	[smem:$0x3FB1] =	sst s3  }
0xc: {  	[smem:$0x3FB2] =	sst s4  }
0xd: {  	[smem:$0x3FB3] =	sst s5  }
0xe: {  	[smem:$0x3FB4] =	sst s6  }
0xf: {  	[smem:$0x3FB5] =	sst s7  }
0x10: {  	[smem:$0x3FB6] =	sst s8  }
0x11: {  	[smem:$0x3FB7] =	sst s9;
	s0 =	simm.s32 @!p0 $0x0  }
0x12: {  	s1 =	sld [smem:$0x3F9D];
	s0 =	simm.s32 @p0 $0x1  }
0x13: {  	[smem:$0x3FB8] =	sst s0;
	s0 =	simm.s32 @!p1 $0x0  }
0x14: {  	s2 =	sld [smem:$0x3F9C];
	s0 =	simm.s32 @p1 $0x1  }
0x15: {  	[smem:$0x3FB9] =	sst s0;
	s0 =	simm.s32 @!p2 $0x0  }
0x16: {  	s3 =	sld [smem:$0x3FDB];
	s0 =	simm.s32 @p2 $0x1  }
0x17: {  	s4 =	simm.s32 $0x1BF5;
	[smem:$0x3FBB] =	sst s0  }
0x18: {  	s0 =	sld [smem:$0x3F9E];
	_ =	swait.ge [sflag:s4], $0x0  }
0x19: {  	s7 =	sld [smem:$0x3F9F]  }
0x1a: {  	s8 =	sadd.s32 $0xFFFFE003, lr  }
0x1b: {  	s9 =	sadd.s32 $0xFFFFFEF7, lr;
	s5 =	simm.s32 $0xFFFFFFFF;
	p2 =	slt.u32 s8, $0xFFFFF086  }
0x1c: {  	p1 =	slt.u32 s9, $0xF7A;
	s5 =	simm.s32 @!p2 $0x0  }
0x1d: {  	s5 =	simm.s32 @p1 $0x1;
	p0 =	seq.s32 s7, s2  }
0x1e: {  	s7 =	smul.u32 @!p0 $0xF7A, s2;
	p2 =	seq.s32 @!p0 s5, $0x0  }
0x1f: {  	s9 =	smul.u32 $0xF7A, s1;
	s8 =	simm.s32 @!p0 $0x1BF5;
	p2 =	por !p2, p0  }
0x20: {  	[sflag:s8] =	ssyncset.s32 @!p0 $0xFFFFF086;
	s6 =	sadd.s32 @!p0 s3, s7;
	s7 =	simm.s32 @!p0 $0x108  }
0x21: {  	s3 =	sadd.s32 s3, s9;
	s6 =	sadd.s32 @!p0 $0x88, s6;
	s7 =	simm.s32 @p2 $0x1082  }
0x22: {  	[simem:s7], [sflag:s8] =	dma.local @!p0 [hbm:s6], $0xF7A  }
0x23: {  	s9 =	sor.u32 $0xD0000000, s2;
	s6 =	simm.s32 $0x108;
	_ =	swait.ge @!p0 [sflag:s8], $0x0  }
0x24: {  	s3 =	sadd.s32 $0x88, s3;
	s6 =	simm.s32 @!p1 $0x1082;
	[sflag:s4] =	ssyncset.s32 $0xFFFFF086  }
0x25: {  	[simem:s6], [sflag:s4] =	dma.local [hbm:s3], $0xF7A  }
0x26: {  	[smem:$0x3F9F] =	sst s1;
	(tag) =	ssettag s2;
	_ =	strace s9  }
0x27: {  	s1 =	sld [smem:$0x3FAF]  }
0x28: {  	s2 =	sld [smem:$0x3FB0]  }
0x29: {  	s4 =	sld [smem:$0x3FB2]  }
0x2a: {  	p0 =	seq.s32 s5, $0x0;
	s5 =	sld [smem:$0x3FB3]  }
0x2b: {  	s6 =	sld [smem:$0x3FB4]  }
0x2c: {  	s7 =	sld [smem:$0x3FB5]  }
0x2d: {  	s3 =	simm.s32 $0x108;
	s8 =	sld [smem:$0x3FB6]  }
0x2e: {  	s3 =	simm.s32 @!p0 $0x1082;
	s9 =	sld [smem:$0x3FB7]  }
0x2f: {  	lr =	sadd.s32 s0, s3;
	s0 =	sld [smem:$0x3FAE]  }
0x30: {  	s3 =	sld [smem:$0x3FB1]  }
0x31: {  	[smem:$0x3FBA] =	sst s10  }
0x32: {  	s10 =	sld [smem:$0x3FB8];
	_ =	sdelay $0x3  }
0x33: {  	p0 =	seq.s32 s10, $0x1;
	s10 =	sld [smem:$0x3FBA];
	_ =	sdelay $0x3  }
0x34: {  	[smem:$0x3FBA] =	sst s10  }
0x35: {  	s10 =	sld [smem:$0x3FB9];
	_ =	sdelay $0x3  }
0x36: {  	p1 =	seq.s32 s10, $0x1;
	s10 =	sld [smem:$0x3FBA];
	_ =	sdelay $0x3  }
0x37: {  	[smem:$0x3FBA] =	sst s10  }
0x38: {  	s10 =	sld [smem:$0x3FBB]  }
0x39: {  	_ = 	snop;
	(pc) =	sbr.ind lr, $3  }
0x3a: {  	_ = 	snop  }
0x3b: {  	_ = 	snop  }
0x3c: {  	p2 =	seq.s32 s10, $0x1;
	s10 =	sld [smem:$0x3FBA]  }
0x3d: {  	_ =	shalt  }
0x3e: {  	_ =	shalt  }
0x3f: {  	_ =	shalt  }
0x40: {  	_ =	shalt  }
0x41: {  	_ =	shalt  }
0x42: {  	_ =	shalt  }
0x43: {  	_ =	shalt  }
0x44: {  	_ =	shalt  }
0x45: {  	_ =	shalt  }
0x46: {  	_ =	shalt  }
0x47: {  	_ =	shalt  }
0x48: {  	_ =	shalt  }
0x49: {  	_ =	shalt  }
0x4a: {  	_ =	shalt  }
0x4b: {  	_ =	shalt  }
0x4c: {  	_ =	shalt  }
0x4d: {  	_ =	shalt  }
0x4e: {  	_ =	shalt  }
0x4f: {  	_ =	shalt  }
0x50: {  	_ =	shalt  }
0x51: {  	_ =	shalt  }
0x52: {  	_ =	shalt  }
0x53: {  	_ =	shalt  }
0x54: {  	_ =	shalt  }
0x55: {  	_ =	shalt  }
0x56: {  	_ =	shalt  }
0x57: {  	_ =	shalt  }
0x58: {  	_ =	shalt  }
0x59: {  	_ =	shalt  }
0x5a: {  	_ =	shalt  }
0x5b: {  	_ =	shalt  }
0x5c: {  	_ =	shalt  }
0x5d: {  	_ =	shalt  }
0x5e: {  	_ =	shalt  }
0x5f: {  	_ =	shalt  }
0x60: {  	_ =	shalt  }
0x61: {  	_ =	shalt  }
0x62: {  	_ =	shalt  }
0x63: {  	_ =	shalt  }
0x64: {  	_ =	shalt  }
0x65: {  	_ =	shalt  }
0x66: {  	_ =	shalt  }
0x67: {  	_ =	shalt  }
0x68: {  	_ =	shalt  }
0x69: {  	_ =	shalt  }
0x6a: {  	_ =	shalt  }
0x6b: {  	_ =	shalt  }
0x6c: {  	_ =	shalt  }
0x6d: {  	_ =	shalt  }
0x6e: {  	_ =	shalt  }
0x6f: {  	_ =	shalt  }
0x70: {  	_ =	shalt  }
0x71: {  	_ =	shalt  }
0x72: {  	_ =	shalt  }
0x73: {  	_ =	shalt  }
0x74: {  	_ =	shalt  }
0x75: {  	_ =	shalt  }
0x76: {  	_ =	shalt  }
0x77: {  	_ =	shalt  }
0x78: {  	_ =	shalt  }
0x79: {  	_ =	shalt  }
0x7a: {  	_ =	shalt  }
0x7b: {  	_ =	shalt  }
0x7c: {  	_ =	shalt  }
0x7d: {  	_ =	shalt  }
0x7e: {  	_ =	shalt  }
0x7f: {  	_ =	shalt  }
0x80: {  	_ =	shalt  }
0x81: {  	_ =	shalt  }
0x82: {  	_ =	shalt  }
0x83: {  	_ =	shalt  }
0x84: {  	_ =	shalt  }
0x85: {  	_ =	shalt  }
0x86: {  	_ =	shalt  }
0x87: {  	_ =	shalt  }
.Lfunc_end0:
.L_simem_size_0:
called_computation.1_lowered:
.L_overlay_start_0:
0x88: {  	s2 =	sld [smem:$0x3FD9]  }
0x89: {  	s3 =	sld [smem:$0x3FFE];
	_ =	sdelay $0x1  }
0x8a: {  	s1 =	srdreg.scid  }
0x8b: {  	s0 =	sand.u32 $0x1, s1  }
0x8c: {  	s17 =	sshll.u32 s0, $0xA;
	s2 =	sadd.s32 s3, s2  }
0x8d: {  	s2 =	sadd.s32 s2, s17  }
0x8e: {  	[smem:$0x3FC6] =	sst s2  }
0x8f: {  	_ = 	snop  }
0x90: {  	s18 =	sld [smem:$0x3FC8];
	(tm) =	ssettm $0x1  }
0x91: {  	s19 =	sld [smem:$0x3FFB];
	_ =	sdelay $0x3  }
0x92: {  	_ =	strace s19  }
0x93: {  	s2 =	sld [smem:$0x3FFC];
	_ =	sdelay $0x3  }
0x94: {  	_ =	strace s2  }
0x95: {  	s2 =	sld [smem:$0x3FFD];
	_ =	sdelay $0x3  }
0x96: {  	_ =	strace s2  }
0x97: {  	_ =	strace $0x8FFFFFFF  }
0x98: {  	s20 =	sld [smem:$0x3FDB];
	_ =	sdelay $0x1  }
0x99: {  	s4 =	simm.s32 $_scs_section_size  }
0x9a: {  	s5 =	simm.s32 $_size__tile_overlayer_lowered;
	s6 =	simm.s32 $_tile_overlayer_lowered  }
0x9b: {  	s7 =	simm.s32 $0x1BFF;
	s21 =	sshll.u32 s6, $0x1;
	s4 =	sadd.s32 s4, s20  }
0x9c: {  	s22 =	simm.s32 $0x0;
	s5 =	sshll.u32 s5, $0x1;
	s6 =	sadd.s32 s21, s4  }
0x9d: {  	[timem:s22], [sflag:s7] =	dma.local [hbm:s6], s5  }
0x9e: {  	_ =	swait.ge [sflag:s7], s5  }
0x9f: {  	s5 =	ssub.s32 $0x0, s5;
	[sflag:s7] =	ssyncset.done $0x0  }
0xa0: {  	[sflag:s7] =	ssyncadd.s32 s5;
	_ =	sdelay $0x1  }
0xa1: {  	s23 =	simm.s32 $0x1B8B  }
0xa2: {  	_ =	swait.ge [sflag:s23], $0x1  }
0xa3: {  	[sflag:s23] =	ssyncset.done $0x0  }
0xa4: {  	[sflag:s23] =	ssyncadd.s32 $0xFFFFFFFF  }
0xa5: {  	s5 =	sld [smem:$0x0]  }
0xa6: {  	s6 =	sand.u32 $0xFFFFFFFE, s1  }
0xa7: {  	p0 =	sne.s32 s1, s6  }
0xa8: {  	s6 =	sshll.u32 @p0 s6, $0xE  }
0xa9: {  	s6 =	sadd.s32 @p0 $0x11B8D, s6;
	s7 =	sshll.u32 @p0 s5, $0x11  }
0xaa: {  	s6 =	sor.u32 @p0 s7, s6  }
0xab: {  	[sflag:s6] =	ssyncadd.remote.s32 @p0 $0x1;
	_ =	sdelay $0x1  }
0xac: {  	s6 =	simm.s32 @p0 $0x1B8D  }
0xad: {  	_ =	swait.eq @p0 [sflag:s6], $0x1  }
0xae: {  	[sflag:s6] =	ssyncadd.s32 @p0 $0xFFFFFFFF  }
0xaf: {  	s7 =	sshll.u32 @!p0 s1, $0xE  }
0xb0: {  	s7 =	sor.u32 @!p0 $0x4000, s7;
	s6 =	simm.s32 @!p0 $0x1B8D  }
0xb1: {  	s5 =	sshll.u32 @!p0 s5, $0x11;
	s7 =	sadd.s32 @!p0 $0x11B8D, s7;
	_ =	swait.eq @!p0 [sflag:s6], $0x1  }
0xb2: {  	s5 =	sor.u32 @!p0 s5, s7;
	[sflag:s6] =	ssyncadd.s32 @!p0 $0xFFFFFFFF  }
0xb3: {  	s25 =	simm.s32 $0x1B8E;
	s24 =	sld [smem:$0x3FFE];
	[sflag:s5] =	ssyncadd.remote.s32 @!p0 $0x1  }
0xb4: {  	s26 =	simm.s32 $execute0_lowered;
	[smem:$0x3FD2] =	sst s25  }
0xb5: {  	s6 =	sshll.u32 s26, $0x1;
	_ =	strace $0x80000049;
	[dreg:$0x1] =	wrdreg $0xFFFFFFFF  }
0xb6: {  	s28 =	simm.s32 $_size_execute0_lowered;
	s4 =	sadd.s32 s4, s6;
	[dreg:$0x0] =	wrdreg $0x0  }
0xb7: {  	s6 =	sshll.u32 s28, $0x1;
	[dreg:$0x2] =	wrdreg s4  }
0xb8: {  	[dreg:$0x3] =	wrdreg s6  }
0xb9: {  	[dreg:$0x4] =	wrdreg $0xC0  }
0xba: {  	_ =	task [dreg:s22], $0x5FFFF  }
0xbb: {  	[dreg:$0x1] =	wrdreg $0xFFFFFFFF  }
0xbc: {  	[dreg:$0x0] =	wrdreg $0x60  }
0xbd: {  	[dreg:$0x2] =	wrdreg s18  }
0xbe: {  	[dreg:$0x3] =	wrdreg s24  }
0xbf: {  	[dreg:$0x4] =	wrdreg $0xA  }
0xc0: {  	_ =	task.clear_ibuf [dreg:s22], $0x5FFFF;
	_ =	strace $0x90000049  }
0xc1: {  	s29 =	simm.s32 $0xA;
	_ =	strace $0x8000004B  }
0xc2: {  	_ =	swait.ge [sflag:s29], $0x1  }
0xc3: {  	[sflag:s29] =	ssyncadd.s32 $0xFFFFFFFF  }
0xc4: {  	_ =	strace $0x9000004B  }
0xc5: {  	_ =	sfence  }
0xc6: {  	s30 =	sld [smem:$0x0];
	_ =	sdelay $0x2  }
0xc7: {  	s31 =	sshll.u32 s1, $0xD;
	s1 =	sshrl.u32 s1, $0x2  }
0xc8: {  	s4 =	sand.u32 $0x4000, s31;
	s1 =	sadd.s32 s1, s30  }
0xc9: {  	s0 =	sor.u32 s4, s0;
	s1 =	sshll.u32 s1, $0x11  }
0xca: {  	s0 =	sor.u32 s1, s0  }
0xcb: {  	s0 =	sadd.s32 $0x8F2B, s0  }
0xcc: {  	[sflag:s0] =	ssyncadd.remote.s32 $0x1  }
0xcd: {  	_ =	sfence.sel $0xFFFF  }
0xce: {  	[dreg:$0x0] =	wrdreg $0xFFFFFFFF;
	(pc) =	sbr.abs _section_cstart, $3  }
0xcf: {  	[dreg:$0x1] =	wrdreg $0xFFFFFFFF  }
0xd0: {  	_ =	task.clear_ibuf [dreg:s22], $0x2FFFF;
	_ =	strace $0x9FFFFFFF  }
0xd1: {  	(tm) =	ssettm $0x7FFFFFFF  }
tec
execute0_lowered:
.L_overlay_start_1:
0x0: {  	(tag) =	ssettag $0x1  }
0x1: {  	s0 =	srdreg.scid;
	s2 =	rddreg [dreg:$0x0]  }
0x2: {  	s17 =	stileid.u32;
	s1 =	rddreg [dreg:$0x1];
	s29 =	simm.s32 $0x0  }
0x3: {  	s6 =	simm.s32 $0x80;
	s7 =	simm.s32 $0x100;
	[smem:$0x7FF] =	sst s29  }
0x4: {  	s8 =	simm.s32 $0x180;
	_ =	strace $0x8000004A;
	[dreg:$0x5] =	wrdreg s6  }
0x5: {  	s10 =	simm.s32 $0x880;
	s11 =	simm.s32 $0x900;
	[dreg:$0x6] =	wrdreg s7  }
0x6: {  	s12 =	simm.s32 $0x980;
	s31 =	simm.s32 $0x9;
	[dreg:$0x7] =	wrdreg s8  }
0x7: {  	s13 =	simm.s32 $0x200;
	s30 =	simm.s32 $0x800;
	[dreg:$0x8] =	wrdreg s10  }
0x8: {  	s14 =	simm.s32 $0x280;
	s15 =	simm.s32 $0x300;
	[dreg:$0x9] =	wrdreg s11  }
0x9: {  	s16 =	simm.s32 $0x380;
	s18 =	simm.s32 $0xA00;
	[dreg:$0xa] =	wrdreg s12  }
0xa: {  	s19 =	simm.s32 $0xA80;
	s20 =	simm.s32 $0xB00;
	[dreg:$0xb] =	wrdreg s13  }
0xb: {  	s21 =	simm.s32 $0xB80;
	s22 =	simm.s32 $0x400;
	[dreg:$0xc] =	wrdreg s14  }
0xc: {  	s23 =	simm.s32 $0x480;
	s24 =	simm.s32 $0x500;
	[dreg:$0xd] =	wrdreg s15  }
0xd: {  	s25 =	simm.s32 $0x580;
	s26 =	simm.s32 $0xC00;
	[dreg:$0xe] =	wrdreg s16  }
0xe: {  	s28 =	simm.s32 $0xD00;
	p0 =	por $0x0, $0x0;
	[dreg:$0xf] =	wrdreg s18  }
0xf: {  	s0 =	sand.u32 $0x1, s0;
	s3 =	sshll.u32 s17, $0x9;
	[dreg:$0x10] =	wrdreg s19  }
0x10: {  	s4 =	sshll.u32 s0, $0x8;
	s0 =	ssub.s32 $0x2, s0;
	[dreg:$0x11] =	wrdreg s20  }
0x11: {  	s8 =	simm.s32 $0x1000;
	s7 =	simm.s32 $0x2C00;
	[dreg:$0x12] =	wrdreg s21  }
0x12: {  	s6 =	simm.s32 $0x4800;
	s16 =	simm.s32 $0x1;
	[dreg:$0x13] =	wrdreg s22  }
0x13: {  	s15 =	simm.s32 $0x2;
	s14 =	simm.s32 $0x3;
	[dreg:$0x14] =	wrdreg s23  }
0x14: {  	s13 =	simm.s32 $0x4;
	s10 =	simm.s32 $0x5;
	[dreg:$0x15] =	wrdreg s24  }
0x15: {  	s11 =	simm.s32 $0x6;
	[dreg:$0x16] =	wrdreg s25;
	s12 =	simm.s32 $0x7  }
0x16: {  	[dreg:$0x17] =	wrdreg s26;
	s23 =	simm.s32 $0xC80;
	s9 =	sshrl.u32 s0, $0x1  }
0x17: {  	s26 =	simm.s32 $0xD80;
	s25 =	simm.s32 $0x600;
	s0 =	ssub.s32 s0, s9  }
0x18: {  	s24 =	simm.s32 $0x700;
	s22 =	simm.s32 $0x780;
	s0 =	smax.u32 s0, $0x1  }
0x19: {  	s21 =	simm.s32 $0xE00;
	s3 =	sor.u32 s4, s3;
	p1 =	sne.s32 s0, $0x1  }
.Ltmp0:
0x1a: {  	s20 =	simm.s32 $0xE80;
	s3 =	sadd.s32 s3, s1;
	(pc) =	sbr.rel @!p1 .LBB2_1-.Ltmp0, $4  }
0x1b: {  	s19 =	simm.s32 $0xF00;
	s18 =	simm.s32 $0xF80;
	s5 =	sadd.s32 $0x7000, s3  }
0x1c: {  	s4 =	simm.s32 $0x32;
	s3 =	sadd.s32 $0x5000, s3;
	[dreg:$0x3] =	wrdreg s5  }
0x1d: {  	s9 =	simm.s32 $0x8;
	[dreg:$0x4] =	wrdreg s3;
	s3 =	sadd.s32 $0x9000, s1  }
0x1e: {  	s5 =	simm.s32 $0x6400;
	s1 =	sadd.s32 $0xFFFFFFFF, s0;
	s0 =	rddreg [dreg:$0x3]  }
0x1f: {  	[tilespmem:s29], [sflag:$0x9] =	stream.linear.gather [hbm4b:s0+s29], $0x800, $0x38;
	[tilespmem:$0x8000] =	vst v63  }
0x20: {  	_ =	swait.ge [sflag:s31], $0x800  }
0x21: {  	[sflag:s31] =	ssyncset.done $0x0  }
0x22: {  	s17 =	rddreg [dreg:$0x4];
	[sflag:s31] =	ssyncadd.s32 $0xFFFFF800  }
0x23: {  	[tilespmem:s30], [sflag:$0x9] =	stream.linear.gather [hbm4b:s17+s29], $0x800, $0x38;
	[tilespmem:$0x8000] =	vst v63  }
0x24: {  	_ =	swait.ge [sflag:s31], $0x800  }
0x25: {  	[sflag:s31] =	ssyncset.done $0x0  }
0x26: {  	[sflag:s31] =	ssyncadd.s32 $0xFFFFF800  }
0x27: {  	[tilespmem:s8], [sflag:$0x1] =	stream.indirect.gather [hbm4b:s2+s4], $0x80, s29, s4, $0xb8;
	[tilespmem:$0x8000] =	vst v63  }
0x28: {  	s0 =	rddreg [dreg:$0x5]  }
0x29: {  	[tilespmem:s7], [sflag:$0x2] =	stream.indirect.gather [hbm4b:s2+s4], $0x80, s0, s4, $0xb8;
	[tilespmem:$0x8000] =	vst v63  }
0x2a: {  	s17 =	smov.u32 s1;
	s1 =	rddreg [dreg:$0x6]  }
0x2b: {  	[tilespmem:s6], [sflag:$0x3] =	stream.indirect.gather [hbm4b:s2+s4], $0x80, s1, s4, $0xb8;
	[tilespmem:$0x8000] =	vst v63  }
0x2c: {  	s0 =	rddreg [dreg:$0x7]  }
0x2d: {  	[tilespmem:s5], [sflag:$0x4] =	stream.indirect.gather [hbm4b:s2+s4], $0x80, s0, s4, $0xb8;
	[tilespmem:$0x8000] =	vst v63  }
0x2e: {  	_ =	swait.ge [sflag:s16], $0x1900  }
0x2f: {  	[sflag:s16] =	ssyncset.done $0x0  }
0x30: {  	[sflag:s16] =	ssyncadd.s32 $0xFFFFE700  }
0x31: {  	[hbm4b:s3+s4] =	stream.indirect.scatter [tilespmem:s8], [sflag:$0x5], $0x80, s30, s4, $0xb8;
	[tilespmem:$0x8000] =	vst v63  }
0x32: {  	_ =	swait.ge [sflag:s15], $0x1900  }
0x33: {  	[sflag:s15] =	ssyncset.done $0x0  }
0x34: {  	s1 =	rddreg [dreg:$0x8];
	[sflag:s15] =	ssyncadd.s32 $0xFFFFE700  }
0x35: {  	[hbm4b:s3+s4] =	stream.indirect.scatter [tilespmem:s7], [sflag:$0x6], $0x80, s1, s4, $0xb8;
	[tilespmem:$0x8000] =	vst v63  }
0x36: {  	_ =	swait.ge [sflag:s14], $0x1900  }
0x37: {  	[sflag:s14] =	ssyncset.done $0x0  }
0x38: {  	s1 =	rddreg [dreg:$0x9];
	[sflag:s14] =	ssyncadd.s32 $0xFFFFE700  }
0x39: {  	[hbm4b:s3+s4] =	stream.indirect.scatter [tilespmem:s6], [sflag:$0x7], $0x80, s1, s4, $0xb8;
	[tilespmem:$0x8000] =	vst v63  }
0x3a: {  	_ =	swait.ge [sflag:s13], $0x1900  }
0x3b: {  	[sflag:s13] =	ssyncset.done $0x0  }
0x3c: {  	s1 =	rddreg [dreg:$0xa];
	[sflag:s13] =	ssyncadd.s32 $0xFFFFE700  }
0x3d: {  	[hbm4b:s3+s4] =	stream.indirect.scatter [tilespmem:s5], [sflag:$0x8], $0x80, s1, s4, $0xb8;
	[tilespmem:$0x8000] =	vst v63  }
0x3e: {  	_ =	swait.ge [sflag:s10], $0x1900  }
0x3f: {  	[sflag:s10] =	ssyncset.done $0x0  }
0x40: {  	s1 =	rddreg [dreg:$0xb];
	[sflag:s10] =	ssyncadd.s32 $0xFFFFE700  }
0x41: {  	[tilespmem:s8], [sflag:$0x1] =	stream.indirect.gather [hbm4b:s2+s4], $0x80, s1, s4, $0xb8;
	[tilespmem:$0x8000] =	vst v63  }
0x42: {  	_ =	swait.ge [sflag:s11], $0x1900  }
0x43: {  	[sflag:s11] =	ssyncset.done $0x0  }
0x44: {  	s1 =	rddreg [dreg:$0xc];
	[sflag:s11] =	ssyncadd.s32 $0xFFFFE700  }
0x45: {  	[tilespmem:s7], [sflag:$0x2] =	stream.indirect.gather [hbm4b:s2+s4], $0x80, s1, s4, $0xb8;
	[tilespmem:$0x8000] =	vst v63  }
0x46: {  	_ =	swait.ge [sflag:s12], $0x1900  }
0x47: {  	[sflag:s12] =	ssyncset.done $0x0  }
0x48: {  	s1 =	rddreg [dreg:$0xd];
	[sflag:s12] =	ssyncadd.s32 $0xFFFFE700  }
0x49: {  	[tilespmem:s6], [sflag:$0x3] =	stream.indirect.gather [hbm4b:s2+s4], $0x80, s1, s4, $0xb8;
	[tilespmem:$0x8000] =	vst v63  }
0x4a: {  	_ =	swait.ge [sflag:s9], $0x1900  }
0x4b: {  	[sflag:s9] =	ssyncset.done $0x0  }
0x4c: {  	s1 =	rddreg [dreg:$0xe];
	[sflag:s9] =	ssyncadd.s32 $0xFFFFE700  }
0x4d: {  	[tilespmem:s5], [sflag:$0x4] =	stream.indirect.gather [hbm4b:s2+s4], $0x80, s1, s4, $0xb8;
	[tilespmem:$0x8000] =	vst v63  }
0x4e: {  	_ =	swait.ge [sflag:s16], $0x1900  }
0x4f: {  	[sflag:s16] =	ssyncset.done $0x0  }
0x50: {  	s1 =	rddreg [dreg:$0xf];
	[sflag:s16] =	ssyncadd.s32 $0xFFFFE700  }
0x51: {  	[hbm4b:s3+s4] =	stream.indirect.scatter [tilespmem:s8], [sflag:$0x5], $0x80, s1, s4, $0xb8;
	[tilespmem:$0x8000] =	vst v63  }
0x52: {  	_ =	swait.ge [sflag:s15], $0x1900  }
0x53: {  	[sflag:s15] =	ssyncset.done $0x0  }
0x54: {  	s1 =	rddreg [dreg:$0x10];
	[sflag:s15] =	ssyncadd.s32 $0xFFFFE700  }
0x55: {  	[hbm4b:s3+s4] =	stream.indirect.scatter [tilespmem:s7], [sflag:$0x6], $0x80, s1, s4, $0xb8;
	[tilespmem:$0x8000] =	vst v63  }
0x56: {  	_ =	swait.ge [sflag:s14], $0x1900  }
0x57: {  	[sflag:s14] =	ssyncset.done $0x0  }
0x58: {  	s1 =	rddreg [dreg:$0x11];
	[sflag:s14] =	ssyncadd.s32 $0xFFFFE700  }
0x59: {  	[hbm4b:s3+s4] =	stream.indirect.scatter [tilespmem:s6], [sflag:$0x7], $0x80, s1, s4, $0xb8;
	[tilespmem:$0x8000] =	vst v63  }
0x5a: {  	_ =	swait.ge [sflag:s13], $0x1900  }
0x5b: {  	[sflag:s13] =	ssyncset.done $0x0  }
0x5c: {  	s1 =	rddreg [dreg:$0x12];
	[sflag:s13] =	ssyncadd.s32 $0xFFFFE700  }
0x5d: {  	[hbm4b:s3+s4] =	stream.indirect.scatter [tilespmem:s5], [sflag:$0x8], $0x80, s1, s4, $0xb8;
	[tilespmem:$0x8000] =	vst v63  }
0x5e: {  	_ =	swait.ge [sflag:s10], $0x1900  }
0x5f: {  	[sflag:s10] =	ssyncset.done $0x0  }
0x60: {  	s1 =	rddreg [dreg:$0x13];
	[sflag:s10] =	ssyncadd.s32 $0xFFFFE700  }
0x61: {  	[tilespmem:s8], [sflag:$0x1] =	stream.indirect.gather [hbm4b:s2+s4], $0x80, s1, s4, $0xb8;
	[tilespmem:$0x8000] =	vst v63  }
0x62: {  	_ =	swait.ge [sflag:s11], $0x1900  }
0x63: {  	[sflag:s11] =	ssyncset.done $0x0  }
0x64: {  	s1 =	rddreg [dreg:$0x14];
	[sflag:s11] =	ssyncadd.s32 $0xFFFFE700  }
0x65: {  	[tilespmem:s7], [sflag:$0x2] =	stream.indirect.gather [hbm4b:s2+s4], $0x80, s1, s4, $0xb8;
	[tilespmem:$0x8000] =	vst v63  }
0x66: {  	_ =	swait.ge [sflag:s12], $0x1900  }
0x67: {  	[sflag:s12] =	ssyncset.done $0x0  }
0x68: {  	s1 =	rddreg [dreg:$0x15];
	[sflag:s12] =	ssyncadd.s32 $0xFFFFE700  }
0x69: {  	[tilespmem:s6], [sflag:$0x3] =	stream.indirect.gather [hbm4b:s2+s4], $0x80, s1, s4, $0xb8;
	[tilespmem:$0x8000] =	vst v63  }
0x6a: {  	_ =	swait.ge [sflag:s9], $0x1900  }
0x6b: {  	[sflag:s9] =	ssyncset.done $0x0  }
0x6c: {  	s1 =	rddreg [dreg:$0x16];
	[sflag:s9] =	ssyncadd.s32 $0xFFFFE700  }
0x6d: {  	[tilespmem:s5], [sflag:$0x4] =	stream.indirect.gather [hbm4b:s2+s4], $0x80, s1, s4, $0xb8;
	[tilespmem:$0x8000] =	vst v63  }
0x6e: {  	_ =	swait.ge [sflag:s16], $0x1900  }
0x6f: {  	[sflag:s16] =	ssyncset.done $0x0  }
0x70: {  	s1 =	rddreg [dreg:$0x17];
	[sflag:s16] =	ssyncadd.s32 $0xFFFFE700  }
0x71: {  	[hbm4b:s3+s4] =	stream.indirect.scatter [tilespmem:s8], [sflag:$0x5], $0x80, s1, s4, $0xb8;
	[tilespmem:$0x8000] =	vst v63  }
0x72: {  	_ =	swait.ge [sflag:s15], $0x1900  }
0x73: {  	[sflag:s15] =	ssyncset.done $0x0  }
0x74: {  	[sflag:s15] =	ssyncadd.s32 $0xFFFFE700  }
0x75: {  	[hbm4b:s3+s4] =	stream.indirect.scatter [tilespmem:s7], [sflag:$0x6], $0x80, s23, s4, $0xb8;
	[tilespmem:$0x8000] =	vst v63  }
0x76: {  	_ =	swait.ge [sflag:s14], $0x1900  }
0x77: {  	[sflag:s14] =	ssyncset.done $0x0  }
0x78: {  	[sflag:s14] =	ssyncadd.s32 $0xFFFFE700  }
0x79: {  	[hbm4b:s3+s4] =	stream.indirect.scatter [tilespmem:s6], [sflag:$0x7], $0x80, s28, s4, $0xb8;
	[tilespmem:$0x8000] =	vst v63  }
0x7a: {  	_ =	swait.ge [sflag:s13], $0x1900  }
0x7b: {  	[sflag:s13] =	ssyncset.done $0x0  }
0x7c: {  	[sflag:s13] =	ssyncadd.s32 $0xFFFFE700  }
0x7d: {  	[hbm4b:s3+s4] =	stream.indirect.scatter [tilespmem:s5], [sflag:$0x8], $0x80, s26, s4, $0xb8;
	[tilespmem:$0x8000] =	vst v63  }
0x7e: {  	_ =	swait.ge [sflag:s10], $0x1900  }
0x7f: {  	[sflag:s10] =	ssyncset.done $0x0  }
0x80: {  	[sflag:s10] =	ssyncadd.s32 $0xFFFFE700  }
0x81: {  	[tilespmem:s8], [sflag:$0x1] =	stream.indirect.gather [hbm4b:s2+s4], $0x80, s25, s4, $0xb8;
	[tilespmem:$0x8000] =	vst v63  }
0x82: {  	_ =	swait.ge [sflag:s11], $0x1900  }
0x83: {  	[sflag:s11] =	ssyncset.done $0x0  }
0x84: {  	s1 =	simm.s32 $0x680;
	[sflag:s11] =	ssyncadd.s32 $0xFFFFE700  }
0x85: {  	[tilespmem:s7], [sflag:$0x2] =	stream.indirect.gather [hbm4b:s2+s4], $0x80, s1, s4, $0xb8;
	[tilespmem:$0x8000] =	vst v63  }
0x86: {  	_ =	swait.ge [sflag:s12], $0x1900  }
0x87: {  	[sflag:s12] =	ssyncset.done $0x0  }
0x88: {  	[sflag:s12] =	ssyncadd.s32 $0xFFFFE700  }
0x89: {  	[tilespmem:s6], [sflag:$0x3] =	stream.indirect.gather [hbm4b:s2+s4], $0x80, s24, s4, $0xb8;
	[tilespmem:$0x8000] =	vst v63  }
0x8a: {  	_ =	swait.ge [sflag:s9], $0x1900  }
0x8b: {  	[sflag:s9] =	ssyncset.done $0x0  }
0x8c: {  	[sflag:s9] =	ssyncadd.s32 $0xFFFFE700  }
0x8d: {  	[tilespmem:s5], [sflag:$0x4] =	stream.indirect.gather [hbm4b:s2+s4], $0x80, s22, s4, $0xb8;
	[tilespmem:$0x8000] =	vst v63  }
0x8e: {  	_ =	swait.ge [sflag:s16], $0x1900  }
0x8f: {  	[sflag:s16] =	ssyncset.done $0x0  }
0x90: {  	[sflag:s16] =	ssyncadd.s32 $0xFFFFE700  }
0x91: {  	[hbm4b:s3+s4] =	stream.indirect.scatter [tilespmem:s8], [sflag:$0x5], $0x80, s21, s4, $0xb8;
	[tilespmem:$0x8000] =	vst v63  }
0x92: {  	_ =	swait.ge [sflag:s15], $0x1900  }
0x93: {  	[sflag:s15] =	ssyncset.done $0x0  }
0x94: {  	[sflag:s15] =	ssyncadd.s32 $0xFFFFE700  }
0x95: {  	[hbm4b:s3+s4] =	stream.indirect.scatter [tilespmem:s7], [sflag:$0x6], $0x80, s20, s4, $0xb8;
	[tilespmem:$0x8000] =	vst v63  }
0x96: {  	_ =	swait.ge [sflag:s14], $0x1900  }
0x97: {  	[sflag:s14] =	ssyncset.done $0x0  }
0x98: {  	[sflag:s14] =	ssyncadd.s32 $0xFFFFE700  }
0x99: {  	[hbm4b:s3+s4] =	stream.indirect.scatter [tilespmem:s6], [sflag:$0x7], $0x80, s19, s4, $0xb8;
	[tilespmem:$0x8000] =	vst v63  }
0x9a: {  	_ =	swait.ge [sflag:s13], $0x1900  }
0x9b: {  	[sflag:s13] =	ssyncset.done $0x0  }
0x9c: {  	[sflag:s13] =	ssyncadd.s32 $0xFFFFE700  }
0x9d: {  	[hbm4b:s3+s4] =	stream.indirect.scatter [tilespmem:s5], [sflag:$0x8], $0x80, s18, s4, $0xb8;
	[tilespmem:$0x8000] =	vst v63  }
0x9e: {  	_ =	swait.ge [sflag:s10], $0x1900  }
0x9f: {  	[sflag:s10] =	ssyncset.done $0x0  }
0xa0: {  	[sflag:s10] =	ssyncadd.s32 $0xFFFFE700  }
0xa1: {  	_ =	swait.ge [sflag:s11], $0x1900  }
0xa2: {  	[sflag:s11] =	ssyncset.done $0x0  }
0xa3: {  	p1 =	sne.s32 s17, $0x1;
	[sflag:s11] =	ssyncadd.s32 $0xFFFFE700  }
.Ltmp1:
0xa4: {  	_ =	swait.ge [sflag:s12], $0x1900;
	(pc) =	sbr.rel @!p1 .LBB2_3-.Ltmp1, $4  }
0xa5: {  	[sflag:s12] =	ssyncset.done $0x0  }
0xa6: {  	[sflag:s12] =	ssyncadd.s32 $0xFFFFE700  }
0xa7: {  	p0 =	por $0x1, $0x1;
	_ =	swait.ge [sflag:s9], $0x1900  }
0xa8: {  	s1 =	sadd.s32 $0xFFFFFFFF, s17;
	s0 =	rddreg [dreg:$0x3];
	[sflag:s9] =	ssyncset.done $0x0  }
.LBB2_4:
0xa9: {  	[sflag:s9] =	ssyncadd.s32 $0xFFFFE700  }
0xaa: {  	[tilespmem:s29], [sflag:$0x9] =	stream.linear.gather [hbm4b:s0+s29], $0x800, $0x38;
	[tilespmem:$0x8000] =	vst v63  }
0xab: {  	_ =	swait.ge [sflag:s31], $0x800  }
0xac: {  	[sflag:s31] =	ssyncset.done $0x0  }
0xad: {  	s17 =	rddreg [dreg:$0x4];
	[sflag:s31] =	ssyncadd.s32 $0xFFFFF800  }
0xae: {  	[tilespmem:s30], [sflag:$0x9] =	stream.linear.gather [hbm4b:s17+s29], $0x800, $0x38;
	[tilespmem:$0x8000] =	vst v63  }
0xaf: {  	_ =	swait.ge [sflag:s31], $0x800  }
0xb0: {  	[sflag:s31] =	ssyncset.done $0x0  }
0xb1: {  	[sflag:s31] =	ssyncadd.s32 $0xFFFFF800  }
0xb2: {  	[tilespmem:s8], [sflag:$0x1] =	stream.indirect.gather [hbm4b:s2+s4], $0x80, s29, s4, $0xb8;
	[tilespmem:$0x8000] =	vst v63  }
0xb3: {  	s0 =	rddreg [dreg:$0x5]  }
0xb4: {  	[tilespmem:s7], [sflag:$0x2] =	stream.indirect.gather [hbm4b:s2+s4], $0x80, s0, s4, $0xb8;
	[tilespmem:$0x8000] =	vst v63  }
0xb5: {  	s17 =	rddreg [dreg:$0x6]  }
0xb6: {  	[tilespmem:s6], [sflag:$0x3] =	stream.indirect.gather [hbm4b:s2+s4], $0x80, s17, s4, $0xb8;
	[tilespmem:$0x8000] =	vst v63  }
0xb7: {  	s0 =	rddreg [dreg:$0x7]  }
0xb8: {  	[tilespmem:s5], [sflag:$0x4] =	stream.indirect.gather [hbm4b:s2+s4], $0x80, s0, s4, $0xb8;
	[tilespmem:$0x8000] =	vst v63  }
0xb9: {  	_ =	swait.ge [sflag:s16], $0x1900  }
0xba: {  	[sflag:s16] =	ssyncset.done $0x0  }
0xbb: {  	[sflag:s16] =	ssyncadd.s32 $0xFFFFE700  }
0xbc: {  	[hbm4b:s3+s4] =	stream.indirect.scatter [tilespmem:s8], [sflag:$0x5], $0x80, s30, s4, $0xb8;
	[tilespmem:$0x8000] =	vst v63  }
0xbd: {  	_ =	swait.ge [sflag:s15], $0x1900  }
0xbe: {  	[sflag:s15] =	ssyncset.done $0x0  }
0xbf: {  	s17 =	rddreg [dreg:$0x8];
	[sflag:s15] =	ssyncadd.s32 $0xFFFFE700  }
0xc0: {  	[hbm4b:s3+s4] =	stream.indirect.scatter [tilespmem:s7], [sflag:$0x6], $0x80, s17, s4, $0xb8;
	[tilespmem:$0x8000] =	vst v63  }
0xc1: {  	_ =	swait.ge [sflag:s14], $0x1900  }
0xc2: {  	[sflag:s14] =	ssyncset.done $0x0  }
0xc3: {  	s17 =	rddreg [dreg:$0x9];
	[sflag:s14] =	ssyncadd.s32 $0xFFFFE700  }
0xc4: {  	[hbm4b:s3+s4] =	stream.indirect.scatter [tilespmem:s6], [sflag:$0x7], $0x80, s17, s4, $0xb8;
	[tilespmem:$0x8000] =	vst v63  }
0xc5: {  	_ =	swait.ge [sflag:s13], $0x1900  }
0xc6: {  	[sflag:s13] =	ssyncset.done $0x0  }
0xc7: {  	s17 =	rddreg [dreg:$0xa];
	[sflag:s13] =	ssyncadd.s32 $0xFFFFE700  }
0xc8: {  	[hbm4b:s3+s4] =	stream.indirect.scatter [tilespmem:s5], [sflag:$0x8], $0x80, s17, s4, $0xb8;
	[tilespmem:$0x8000] =	vst v63  }
0xc9: {  	_ =	swait.ge [sflag:s10], $0x1900  }
0xca: {  	[sflag:s10] =	ssyncset.done $0x0  }
0xcb: {  	s17 =	rddreg [dreg:$0xb];
	[sflag:s10] =	ssyncadd.s32 $0xFFFFE700  }
0xcc: {  	[tilespmem:s8], [sflag:$0x1] =	stream.indirect.gather [hbm4b:s2+s4], $0x80, s17, s4, $0xb8;
	[tilespmem:$0x8000] =	vst v63  }
0xcd: {  	_ =	swait.ge [sflag:s11], $0x1900  }
0xce: {  	[sflag:s11] =	ssyncset.done $0x0  }
0xcf: {  	s17 =	rddreg [dreg:$0xc];
	[sflag:s11] =	ssyncadd.s32 $0xFFFFE700  }
0xd0: {  	[tilespmem:s7], [sflag:$0x2] =	stream.indirect.gather [hbm4b:s2+s4], $0x80, s17, s4, $0xb8;
	[tilespmem:$0x8000] =	vst v63  }
0xd1: {  	_ =	swait.ge [sflag:s12], $0x1900  }
0xd2: {  	[sflag:s12] =	ssyncset.done $0x0  }
0xd3: {  	s17 =	rddreg [dreg:$0xd];
	[sflag:s12] =	ssyncadd.s32 $0xFFFFE700  }
0xd4: {  	[tilespmem:s6], [sflag:$0x3] =	stream.indirect.gather [hbm4b:s2+s4], $0x80, s17, s4, $0xb8;
	[tilespmem:$0x8000] =	vst v63  }
0xd5: {  	_ =	swait.ge [sflag:s9], $0x1900  }
0xd6: {  	[sflag:s9] =	ssyncset.done $0x0  }
0xd7: {  	s17 =	rddreg [dreg:$0xe];
	[sflag:s9] =	ssyncadd.s32 $0xFFFFE700  }
0xd8: {  	[tilespmem:s5], [sflag:$0x4] =	stream.indirect.gather [hbm4b:s2+s4], $0x80, s17, s4, $0xb8;
	[tilespmem:$0x8000] =	vst v63  }
0xd9: {  	_ =	swait.ge [sflag:s16], $0x1900  }
0xda: {  	[sflag:s16] =	ssyncset.done $0x0  }
0xdb: {  	s17 =	rddreg [dreg:$0xf];
	[sflag:s16] =	ssyncadd.s32 $0xFFFFE700  }
0xdc: {  	[hbm4b:s3+s4] =	stream.indirect.scatter [tilespmem:s8], [sflag:$0x5], $0x80, s17, s4, $0xb8;
	[tilespmem:$0x8000] =	vst v63  }
0xdd: {  	_ =	swait.ge [sflag:s15], $0x1900  }
0xde: {  	[sflag:s15] =	ssyncset.done $0x0  }
0xdf: {  	s17 =	rddreg [dreg:$0x10];
	[sflag:s15] =	ssyncadd.s32 $0xFFFFE700  }
0xe0: {  	[hbm4b:s3+s4] =	stream.indirect.scatter [tilespmem:s7], [sflag:$0x6], $0x80, s17, s4, $0xb8;
	[tilespmem:$0x8000] =	vst v63  }
0xe1: {  	_ =	swait.ge [sflag:s14], $0x1900  }
0xe2: {  	[sflag:s14] =	ssyncset.done $0x0  }
0xe3: {  	s17 =	rddreg [dreg:$0x11];
	[sflag:s14] =	ssyncadd.s32 $0xFFFFE700  }
0xe4: {  	[hbm4b:s3+s4] =	stream.indirect.scatter [tilespmem:s6], [sflag:$0x7], $0x80, s17, s4, $0xb8;
	[tilespmem:$0x8000] =	vst v63  }
0xe5: {  	_ =	swait.ge [sflag:s13], $0x1900  }
0xe6: {  	[sflag:s13] =	ssyncset.done $0x0  }
0xe7: {  	s17 =	rddreg [dreg:$0x12];
	[sflag:s13] =	ssyncadd.s32 $0xFFFFE700  }
0xe8: {  	[hbm4b:s3+s4] =	stream.indirect.scatter [tilespmem:s5], [sflag:$0x8], $0x80, s17, s4, $0xb8;
	[tilespmem:$0x8000] =	vst v63  }
0xe9: {  	_ =	swait.ge [sflag:s10], $0x1900  }
0xea: {  	[sflag:s10] =	ssyncset.done $0x0  }
0xeb: {  	s17 =	rddreg [dreg:$0x13];
	[sflag:s10] =	ssyncadd.s32 $0xFFFFE700  }
0xec: {  	[tilespmem:s8], [sflag:$0x1] =	stream.indirect.gather [hbm4b:s2+s4], $0x80, s17, s4, $0xb8;
	[tilespmem:$0x8000] =	vst v63  }
0xed: {  	_ =	swait.ge [sflag:s11], $0x1900  }
0xee: {  	[sflag:s11] =	ssyncset.done $0x0  }
0xef: {  	s17 =	rddreg [dreg:$0x14];
	[sflag:s11] =	ssyncadd.s32 $0xFFFFE700  }
0xf0: {  	[tilespmem:s7], [sflag:$0x2] =	stream.indirect.gather [hbm4b:s2+s4], $0x80, s17, s4, $0xb8;
	[tilespmem:$0x8000] =	vst v63  }
0xf1: {  	_ =	swait.ge [sflag:s12], $0x1900  }
0xf2: {  	[sflag:s12] =	ssyncset.done $0x0  }
0xf3: {  	s17 =	rddreg [dreg:$0x15];
	[sflag:s12] =	ssyncadd.s32 $0xFFFFE700  }
0xf4: {  	[tilespmem:s6], [sflag:$0x3] =	stream.indirect.gather [hbm4b:s2+s4], $0x80, s17, s4, $0xb8;
	[tilespmem:$0x8000] =	vst v63  }
0xf5: {  	_ =	swait.ge [sflag:s9], $0x1900  }
0xf6: {  	[sflag:s9] =	ssyncset.done $0x0  }
0xf7: {  	s17 =	rddreg [dreg:$0x16];
	[sflag:s9] =	ssyncadd.s32 $0xFFFFE700  }
0xf8: {  	[tilespmem:s5], [sflag:$0x4] =	stream.indirect.gather [hbm4b:s2+s4], $0x80, s17, s4, $0xb8;
	[tilespmem:$0x8000] =	vst v63  }
0xf9: {  	_ =	swait.ge [sflag:s16], $0x1900  }
0xfa: {  	[sflag:s16] =	ssyncset.done $0x0  }
0xfb: {  	s17 =	rddreg [dreg:$0x17];
	[sflag:s16] =	ssyncadd.s32 $0xFFFFE700  }
0xfc: {  	[hbm4b:s3+s4] =	stream.indirect.scatter [tilespmem:s8], [sflag:$0x5], $0x80, s17, s4, $0xb8;
	[tilespmem:$0x8000] =	vst v63  }
0xfd: {  	_ =	swait.ge [sflag:s15], $0x1900  }
0xfe: {  	[sflag:s15] =	ssyncset.done $0x0  }
0xff: {  	[sflag:s15] =	ssyncadd.s32 $0xFFFFE700  }
0x100: {  	[hbm4b:s3+s4] =	stream.indirect.scatter [tilespmem:s7], [sflag:$0x6], $0x80, s23, s4, $0xb8;
	[tilespmem:$0x8000] =	vst v63  }
0x101: {  	_ =	swait.ge [sflag:s14], $0x1900  }
0x102: {  	[sflag:s14] =	ssyncset.done $0x0  }
0x103: {  	[sflag:s14] =	ssyncadd.s32 $0xFFFFE700  }
0x104: {  	[hbm4b:s3+s4] =	stream.indirect.scatter [tilespmem:s6], [sflag:$0x7], $0x80, s28, s4, $0xb8;
	[tilespmem:$0x8000] =	vst v63  }
0x105: {  	_ =	swait.ge [sflag:s13], $0x1900  }
0x106: {  	[sflag:s13] =	ssyncset.done $0x0  }
0x107: {  	[sflag:s13] =	ssyncadd.s32 $0xFFFFE700  }
0x108: {  	[hbm4b:s3+s4] =	stream.indirect.scatter [tilespmem:s5], [sflag:$0x8], $0x80, s26, s4, $0xb8;
	[tilespmem:$0x8000] =	vst v63  }
0x109: {  	_ =	swait.ge [sflag:s10], $0x1900  }
0x10a: {  	[sflag:s10] =	ssyncset.done $0x0  }
0x10b: {  	[sflag:s10] =	ssyncadd.s32 $0xFFFFE700  }
0x10c: {  	[tilespmem:s8], [sflag:$0x1] =	stream.indirect.gather [hbm4b:s2+s4], $0x80, s25, s4, $0xb8;
	[tilespmem:$0x8000] =	vst v63  }
0x10d: {  	_ =	swait.ge [sflag:s11], $0x1900  }
0x10e: {  	[sflag:s11] =	ssyncset.done $0x0  }
0x10f: {  	s17 =	simm.s32 $0x680;
	[sflag:s11] =	ssyncadd.s32 $0xFFFFE700  }
0x110: {  	[tilespmem:s7], [sflag:$0x2] =	stream.indirect.gather [hbm4b:s2+s4], $0x80, s17, s4, $0xb8;
	[tilespmem:$0x8000] =	vst v63  }
0x111: {  	_ =	swait.ge [sflag:s12], $0x1900  }
0x112: {  	[sflag:s12] =	ssyncset.done $0x0  }
0x113: {  	[sflag:s12] =	ssyncadd.s32 $0xFFFFE700  }
0x114: {  	[tilespmem:s6], [sflag:$0x3] =	stream.indirect.gather [hbm4b:s2+s4], $0x80, s24, s4, $0xb8;
	[tilespmem:$0x8000] =	vst v63  }
0x115: {  	_ =	swait.ge [sflag:s9], $0x1900  }
0x116: {  	[sflag:s9] =	ssyncset.done $0x0  }
0x117: {  	[sflag:s9] =	ssyncadd.s32 $0xFFFFE700  }
0x118: {  	[tilespmem:s5], [sflag:$0x4] =	stream.indirect.gather [hbm4b:s2+s4], $0x80, s22, s4, $0xb8;
	[tilespmem:$0x8000] =	vst v63  }
0x119: {  	_ =	swait.ge [sflag:s16], $0x1900  }
0x11a: {  	[sflag:s16] =	ssyncset.done $0x0  }
0x11b: {  	[sflag:s16] =	ssyncadd.s32 $0xFFFFE700  }
0x11c: {  	[hbm4b:s3+s4] =	stream.indirect.scatter [tilespmem:s8], [sflag:$0x5], $0x80, s21, s4, $0xb8;
	[tilespmem:$0x8000] =	vst v63  }
0x11d: {  	_ =	swait.ge [sflag:s15], $0x1900  }
0x11e: {  	[sflag:s15] =	ssyncset.done $0x0  }
0x11f: {  	[sflag:s15] =	ssyncadd.s32 $0xFFFFE700  }
0x120: {  	[hbm4b:s3+s4] =	stream.indirect.scatter [tilespmem:s7], [sflag:$0x6], $0x80, s20, s4, $0xb8;
	[tilespmem:$0x8000] =	vst v63  }
0x121: {  	_ =	swait.ge [sflag:s14], $0x1900  }
0x122: {  	[sflag:s14] =	ssyncset.done $0x0  }
0x123: {  	[sflag:s14] =	ssyncadd.s32 $0xFFFFE700  }
0x124: {  	[hbm4b:s3+s4] =	stream.indirect.scatter [tilespmem:s6], [sflag:$0x7], $0x80, s19, s4, $0xb8;
	[tilespmem:$0x8000] =	vst v63  }
0x125: {  	_ =	swait.ge [sflag:s13], $0x1900  }
0x126: {  	[sflag:s13] =	ssyncset.done $0x0  }
0x127: {  	[sflag:s13] =	ssyncadd.s32 $0xFFFFE700  }
0x128: {  	[hbm4b:s3+s4] =	stream.indirect.scatter [tilespmem:s5], [sflag:$0x8], $0x80, s18, s4, $0xb8;
	[tilespmem:$0x8000] =	vst v63  }
0x129: {  	_ =	swait.ge [sflag:s10], $0x1900  }
0x12a: {  	[sflag:s10] =	ssyncset.done $0x0  }
0x12b: {  	[sflag:s10] =	ssyncadd.s32 $0xFFFFE700  }
0x12c: {  	_ =	swait.ge [sflag:s11], $0x1900  }
0x12d: {  	[sflag:s11] =	ssyncset.done $0x0  }
0x12e: {  	p1 =	sne.s32 s1, $0x1;
	[sflag:s11] =	ssyncadd.s32 $0xFFFFE700  }
.Ltmp2:
0x12f: {  	_ =	swait.ge [sflag:s12], $0x1900;
	(pc) =	sbr.rel @p1 .LBB2_4-.Ltmp2, $4  }
0x130: {  	[sflag:s12] =	ssyncset.done $0x0  }
0x131: {  	[sflag:s12] =	ssyncadd.s32 $0xFFFFE700  }
0x132: {  	_ =	swait.ge [sflag:s9], $0x1900  }
0x133: {  	s1 =	sadd.s32 $0xFFFFFFFF, s1;
	s0 =	rddreg [dreg:$0x3];
	[sflag:s9] =	ssyncset.done $0x0  }
0x134: {  	s18 =	simm.s32 $0xC80;
	s28 =	simm.s32 $0xD00  }
0x135: {  	s26 =	simm.s32 $0xD80;
	s25 =	simm.s32 $0x600;
	s24 =	simm.s32 $0x700  }
0x136: {  	s23 =	simm.s32 $0x680;
	s22 =	simm.s32 $0x780;
	s21 =	simm.s32 $0xE00  }
0x137: {  	s20 =	simm.s32 $0xE80;
	s19 =	simm.s32 $0xF00;
	s17 =	stileid.u32  }
.LBB2_6:
0x138: {  	[sflag:s9] =	ssyncadd.s32 @p0 $0xFFFFE700  }
0x139: {  	[tilespmem:s29], [sflag:$0x9] =	stream.linear.gather [hbm4b:s0+s29], $0x800, $0x38;
	[tilespmem:$0x8000] =	vst v63  }
0x13a: {  	_ =	swait.ge [sflag:s31], $0x800  }
0x13b: {  	[sflag:s31] =	ssyncset.done $0x0  }
0x13c: {  	s1 =	rddreg [dreg:$0x4];
	[sflag:s31] =	ssyncadd.s32 $0xFFFFF800  }
0x13d: {  	[tilespmem:s30], [sflag:$0x9] =	stream.linear.gather [hbm4b:s1+s29], $0x800, $0x38;
	[tilespmem:$0x8000] =	vst v63  }
0x13e: {  	_ =	swait.ge [sflag:s31], $0x800  }
0x13f: {  	[sflag:s31] =	ssyncset.done $0x0  }
0x140: {  	[sflag:s31] =	ssyncadd.s32 $0xFFFFF800  }
0x141: {  	[tilespmem:s8], [sflag:$0x1] =	stream.indirect.gather [hbm4b:s2+s4], $0x80, s29, s4, $0xb8;
	[tilespmem:$0x8000] =	vst v63  }
0x142: {  	s31 =	rddreg [dreg:$0x5]  }
0x143: {  	[tilespmem:s7], [sflag:$0x2] =	stream.indirect.gather [hbm4b:s2+s4], $0x80, s31, s4, $0xb8;
	[tilespmem:$0x8000] =	vst v63  }
0x144: {  	s1 =	rddreg [dreg:$0x6]  }
0x145: {  	[tilespmem:s6], [sflag:$0x3] =	stream.indirect.gather [hbm4b:s2+s4], $0x80, s1, s4, $0xb8;
	[tilespmem:$0x8000] =	vst v63  }
0x146: {  	s29 =	rddreg [dreg:$0x7]  }
0x147: {  	[tilespmem:s5], [sflag:$0x4] =	stream.indirect.gather [hbm4b:s2+s4], $0x80, s29, s4, $0xb8;
	[tilespmem:$0x8000] =	vst v63  }
0x148: {  	_ =	swait.ge [sflag:s16], $0x1900  }
0x149: {  	[sflag:s16] =	ssyncset.done $0x0  }
0x14a: {  	[sflag:s16] =	ssyncadd.s32 $0xFFFFE700  }
0x14b: {  	[hbm4b:s3+s4] =	stream.indirect.scatter [tilespmem:s8], [sflag:$0x5], $0x80, s30, s4, $0xb8;
	[tilespmem:$0x8000] =	vst v63  }
0x14c: {  	_ =	swait.ge [sflag:s15], $0x1900  }
0x14d: {  	[sflag:s15] =	ssyncset.done $0x0  }
0x14e: {  	s31 =	rddreg [dreg:$0x8];
	[sflag:s15] =	ssyncadd.s32 $0xFFFFE700  }
0x14f: {  	[hbm4b:s3+s4] =	stream.indirect.scatter [tilespmem:s7], [sflag:$0x6], $0x80, s31, s4, $0xb8;
	[tilespmem:$0x8000] =	vst v63  }
0x150: {  	_ =	swait.ge [sflag:s14], $0x1900  }
0x151: {  	[sflag:s14] =	ssyncset.done $0x0  }
0x152: {  	s1 =	rddreg [dreg:$0x9];
	[sflag:s14] =	ssyncadd.s32 $0xFFFFE700  }
0x153: {  	[hbm4b:s3+s4] =	stream.indirect.scatter [tilespmem:s6], [sflag:$0x7], $0x80, s1, s4, $0xb8;
	[tilespmem:$0x8000] =	vst v63  }
0x154: {  	_ =	swait.ge [sflag:s13], $0x1900  }
0x155: {  	[sflag:s13] =	ssyncset.done $0x0  }
0x156: {  	s29 =	rddreg [dreg:$0xa];
	[sflag:s13] =	ssyncadd.s32 $0xFFFFE700  }
0x157: {  	[hbm4b:s3+s4] =	stream.indirect.scatter [tilespmem:s5], [sflag:$0x8], $0x80, s29, s4, $0xb8;
	[tilespmem:$0x8000] =	vst v63  }
0x158: {  	_ =	swait.ge [sflag:s10], $0x1900  }
0x159: {  	[sflag:s10] =	ssyncset.done $0x0  }
0x15a: {  	s30 =	rddreg [dreg:$0xb];
	[sflag:s10] =	ssyncadd.s32 $0xFFFFE700  }
0x15b: {  	[tilespmem:s8], [sflag:$0x1] =	stream.indirect.gather [hbm4b:s2+s4], $0x80, s30, s4, $0xb8;
	[tilespmem:$0x8000] =	vst v63  }
0x15c: {  	_ =	swait.ge [sflag:s11], $0x1900  }
0x15d: {  	[sflag:s11] =	ssyncset.done $0x0  }
0x15e: {  	s31 =	rddreg [dreg:$0xc];
	[sflag:s11] =	ssyncadd.s32 $0xFFFFE700  }
0x15f: {  	[tilespmem:s7], [sflag:$0x2] =	stream.indirect.gather [hbm4b:s2+s4], $0x80, s31, s4, $0xb8;
	[tilespmem:$0x8000] =	vst v63  }
0x160: {  	_ =	swait.ge [sflag:s12], $0x1900  }
0x161: {  	[sflag:s12] =	ssyncset.done $0x0  }
0x162: {  	s1 =	rddreg [dreg:$0xd];
	[sflag:s12] =	ssyncadd.s32 $0xFFFFE700  }
0x163: {  	[tilespmem:s6], [sflag:$0x3] =	stream.indirect.gather [hbm4b:s2+s4], $0x80, s1, s4, $0xb8;
	[tilespmem:$0x8000] =	vst v63  }
0x164: {  	_ =	swait.ge [sflag:s9], $0x1900  }
0x165: {  	[sflag:s9] =	ssyncset.done $0x0  }
0x166: {  	s29 =	rddreg [dreg:$0xe];
	[sflag:s9] =	ssyncadd.s32 $0xFFFFE700  }
0x167: {  	[tilespmem:s5], [sflag:$0x4] =	stream.indirect.gather [hbm4b:s2+s4], $0x80, s29, s4, $0xb8;
	[tilespmem:$0x8000] =	vst v63  }
0x168: {  	_ =	swait.ge [sflag:s16], $0x1900  }
0x169: {  	[sflag:s16] =	ssyncset.done $0x0  }
0x16a: {  	s30 =	rddreg [dreg:$0xf];
	[sflag:s16] =	ssyncadd.s32 $0xFFFFE700  }
0x16b: {  	[hbm4b:s3+s4] =	stream.indirect.scatter [tilespmem:s8], [sflag:$0x5], $0x80, s30, s4, $0xb8;
	[tilespmem:$0x8000] =	vst v63  }
0x16c: {  	_ =	swait.ge [sflag:s15], $0x1900  }
0x16d: {  	[sflag:s15] =	ssyncset.done $0x0  }
0x16e: {  	s31 =	rddreg [dreg:$0x10];
	[sflag:s15] =	ssyncadd.s32 $0xFFFFE700  }
0x16f: {  	[hbm4b:s3+s4] =	stream.indirect.scatter [tilespmem:s7], [sflag:$0x6], $0x80, s31, s4, $0xb8;
	[tilespmem:$0x8000] =	vst v63  }
0x170: {  	_ =	swait.ge [sflag:s14], $0x1900  }
0x171: {  	[sflag:s14] =	ssyncset.done $0x0  }
0x172: {  	s1 =	rddreg [dreg:$0x11];
	[sflag:s14] =	ssyncadd.s32 $0xFFFFE700  }
0x173: {  	[hbm4b:s3+s4] =	stream.indirect.scatter [tilespmem:s6], [sflag:$0x7], $0x80, s1, s4, $0xb8;
	[tilespmem:$0x8000] =	vst v63  }
0x174: {  	_ =	swait.ge [sflag:s13], $0x1900  }
0x175: {  	[sflag:s13] =	ssyncset.done $0x0  }
0x176: {  	s29 =	rddreg [dreg:$0x12];
	[sflag:s13] =	ssyncadd.s32 $0xFFFFE700  }
0x177: {  	[hbm4b:s3+s4] =	stream.indirect.scatter [tilespmem:s5], [sflag:$0x8], $0x80, s29, s4, $0xb8;
	[tilespmem:$0x8000] =	vst v63  }
0x178: {  	_ =	swait.ge [sflag:s10], $0x1900  }
0x179: {  	[sflag:s10] =	ssyncset.done $0x0  }
0x17a: {  	s30 =	rddreg [dreg:$0x13];
	[sflag:s10] =	ssyncadd.s32 $0xFFFFE700  }
0x17b: {  	[tilespmem:s8], [sflag:$0x1] =	stream.indirect.gather [hbm4b:s2+s4], $0x80, s30, s4, $0xb8;
	[tilespmem:$0x8000] =	vst v63  }
0x17c: {  	_ =	swait.ge [sflag:s11], $0x1900  }
0x17d: {  	[sflag:s11] =	ssyncset.done $0x0  }
0x17e: {  	s31 =	rddreg [dreg:$0x14];
	[sflag:s11] =	ssyncadd.s32 $0xFFFFE700  }
0x17f: {  	[tilespmem:s7], [sflag:$0x2] =	stream.indirect.gather [hbm4b:s2+s4], $0x80, s31, s4, $0xb8;
	[tilespmem:$0x8000] =	vst v63  }
0x180: {  	_ =	swait.ge [sflag:s12], $0x1900  }
0x181: {  	[sflag:s12] =	ssyncset.done $0x0  }
0x182: {  	s1 =	rddreg [dreg:$0x15];
	[sflag:s12] =	ssyncadd.s32 $0xFFFFE700  }
0x183: {  	[tilespmem:s6], [sflag:$0x3] =	stream.indirect.gather [hbm4b:s2+s4], $0x80, s1, s4, $0xb8;
	[tilespmem:$0x8000] =	vst v63  }
0x184: {  	_ =	swait.ge [sflag:s9], $0x1900  }
0x185: {  	[sflag:s9] =	ssyncset.done $0x0  }
0x186: {  	s29 =	rddreg [dreg:$0x16];
	[sflag:s9] =	ssyncadd.s32 $0xFFFFE700  }
0x187: {  	[tilespmem:s5], [sflag:$0x4] =	stream.indirect.gather [hbm4b:s2+s4], $0x80, s29, s4, $0xb8;
	[tilespmem:$0x8000] =	vst v63  }
0x188: {  	_ =	swait.ge [sflag:s16], $0x1900  }
0x189: {  	[sflag:s16] =	ssyncset.done $0x0  }
0x18a: {  	s30 =	rddreg [dreg:$0x17];
	[sflag:s16] =	ssyncadd.s32 $0xFFFFE700  }
0x18b: {  	[hbm4b:s3+s4] =	stream.indirect.scatter [tilespmem:s8], [sflag:$0x5], $0x80, s30, s4, $0xb8;
	[tilespmem:$0x8000] =	vst v63  }
0x18c: {  	_ =	swait.ge [sflag:s15], $0x1900  }
0x18d: {  	[sflag:s15] =	ssyncset.done $0x0  }
0x18e: {  	[sflag:s15] =	ssyncadd.s32 $0xFFFFE700  }
0x18f: {  	[hbm4b:s3+s4] =	stream.indirect.scatter [tilespmem:s7], [sflag:$0x6], $0x80, s18, s4, $0xb8;
	[tilespmem:$0x8000] =	vst v63  }
0x190: {  	_ =	swait.ge [sflag:s14], $0x1900  }
0x191: {  	[sflag:s14] =	ssyncset.done $0x0  }
0x192: {  	[sflag:s14] =	ssyncadd.s32 $0xFFFFE700  }
0x193: {  	[hbm4b:s3+s4] =	stream.indirect.scatter [tilespmem:s6], [sflag:$0x7], $0x80, s28, s4, $0xb8;
	[tilespmem:$0x8000] =	vst v63  }
0x194: {  	_ =	swait.ge [sflag:s13], $0x1900  }
0x195: {  	[sflag:s13] =	ssyncset.done $0x0  }
0x196: {  	[sflag:s13] =	ssyncadd.s32 $0xFFFFE700  }
0x197: {  	[hbm4b:s3+s4] =	stream.indirect.scatter [tilespmem:s5], [sflag:$0x8], $0x80, s26, s4, $0xb8;
	[tilespmem:$0x8000] =	vst v63  }
0x198: {  	_ =	swait.ge [sflag:s10], $0x1900  }
0x199: {  	[sflag:s10] =	ssyncset.done $0x0  }
0x19a: {  	[sflag:s10] =	ssyncadd.s32 $0xFFFFE700  }
0x19b: {  	[tilespmem:s8], [sflag:$0x1] =	stream.indirect.gather [hbm4b:s2+s4], $0x80, s25, s4, $0xb8;
	[tilespmem:$0x8000] =	vst v63  }
0x19c: {  	_ =	swait.ge [sflag:s11], $0x1900  }
0x19d: {  	[sflag:s11] =	ssyncset.done $0x0  }
0x19e: {  	[sflag:s11] =	ssyncadd.s32 $0xFFFFE700  }
0x19f: {  	[tilespmem:s7], [sflag:$0x2] =	stream.indirect.gather [hbm4b:s2+s4], $0x80, s23, s4, $0xb8;
	[tilespmem:$0x8000] =	vst v63  }
0x1a0: {  	_ =	swait.ge [sflag:s12], $0x1900  }
0x1a1: {  	[sflag:s12] =	ssyncset.done $0x0  }
0x1a2: {  	[sflag:s12] =	ssyncadd.s32 $0xFFFFE700  }
0x1a3: {  	[tilespmem:s6], [sflag:$0x3] =	stream.indirect.gather [hbm4b:s2+s4], $0x80, s24, s4, $0xb8;
	[tilespmem:$0x8000] =	vst v63  }
0x1a4: {  	_ =	swait.ge [sflag:s9], $0x1900  }
0x1a5: {  	[sflag:s9] =	ssyncset.done $0x0  }
0x1a6: {  	[sflag:s9] =	ssyncadd.s32 $0xFFFFE700  }
0x1a7: {  	[tilespmem:s5], [sflag:$0x4] =	stream.indirect.gather [hbm4b:s2+s4], $0x80, s22, s4, $0xb8;
	[tilespmem:$0x8000] =	vst v63  }
0x1a8: {  	_ =	swait.ge [sflag:s16], $0x1900  }
0x1a9: {  	[sflag:s16] =	ssyncset.done $0x0  }
0x1aa: {  	[sflag:s16] =	ssyncadd.s32 $0xFFFFE700  }
0x1ab: {  	[hbm4b:s3+s4] =	stream.indirect.scatter [tilespmem:s8], [sflag:$0x5], $0x80, s21, s4, $0xb8;
	[tilespmem:$0x8000] =	vst v63  }
0x1ac: {  	_ =	swait.ge [sflag:s15], $0x1900  }
0x1ad: {  	[sflag:s15] =	ssyncset.done $0x0  }
0x1ae: {  	[sflag:s15] =	ssyncadd.s32 $0xFFFFE700  }
0x1af: {  	[hbm4b:s3+s4] =	stream.indirect.scatter [tilespmem:s7], [sflag:$0x6], $0x80, s20, s4, $0xb8;
	[tilespmem:$0x8000] =	vst v63  }
0x1b0: {  	_ =	swait.ge [sflag:s14], $0x1900  }
0x1b1: {  	[sflag:s14] =	ssyncset.done $0x0  }
0x1b2: {  	[sflag:s14] =	ssyncadd.s32 $0xFFFFE700  }
0x1b3: {  	[hbm4b:s3+s4] =	stream.indirect.scatter [tilespmem:s6], [sflag:$0x7], $0x80, s19, s4, $0xb8;
	[tilespmem:$0x8000] =	vst v63  }
0x1b4: {  	_ =	swait.ge [sflag:s13], $0x1900  }
0x1b5: {  	[sflag:s13] =	ssyncset.done $0x0  }
0x1b6: {  	s31 =	simm.s32 $0xF80;
	[sflag:s13] =	ssyncadd.s32 $0xFFFFE700  }
0x1b7: {  	[hbm4b:s3+s4] =	stream.indirect.scatter [tilespmem:s5], [sflag:$0x8], $0x80, s31, s4, $0xb8;
	[tilespmem:$0x8000] =	vst v63  }
0x1b8: {  	_ =	swait.ge [sflag:s10], $0x1900  }
0x1b9: {  	[sflag:s10] =	ssyncset.done $0x0  }
0x1ba: {  	[sflag:s10] =	ssyncadd.s32 $0xFFFFE700  }
0x1bb: {  	_ =	swait.ge [sflag:s11], $0x1900  }
0x1bc: {  	[sflag:s11] =	ssyncset.done $0x0  }
0x1bd: {  	[sflag:s11] =	ssyncadd.s32 $0xFFFFE700  }
0x1be: {  	_ =	swait.ge [sflag:s12], $0x1900  }
0x1bf: {  	[sflag:s12] =	ssyncset.done $0x0  }
0x1c0: {  	[sflag:s12] =	ssyncadd.s32 $0xFFFFE700  }
0x1c1: {  	_ =	swait.ge [sflag:s9], $0x1900  }
0x1c2: {  	[sflag:s9] =	ssyncset.done $0x0  }
0x1c3: {  	[sflag:s9] =	ssyncadd.s32 $0xFFFFE700  }
0x1c4: {  	_ =	sfence.sel $0x180000  }
0x1c5: {  	[bflag:$0x0] =	sbarrier.arrive $0xFFFF  }
0x1c6: {  	_ =	strace $0x9000004A  }
0x1c7: {  	[bflag:$0x2] =	sbarrier.arrive $0xFFFF  }
0x1c8: {  	p0 =	sne.s32 s17, $0x0;
	s0 =	rddreg [dreg:$0x2]  }
0x1c9: {  	s0 =	sadd.s32 @!p0 $0x100000, s0  }
0x1ca: {  	[sflag:s0] =	ssyncadd.tile.s32 @!p0 $0x1;
	_ =	shalt  }
.LBB2_1:
.Ltmp3:
0x1cb: {  	(pc) =	sbr.rel .LBB2_6-.Ltmp3, $4  }
0x1cc: {  	s18 =	simm.s32 $0xC80  }
0x1cd: {  	s28 =	simm.s32 $0xD00;
	s26 =	simm.s32 $0xD80;
	s25 =	simm.s32 $0x600  }
0x1ce: {  	s24 =	simm.s32 $0x700;
	s23 =	simm.s32 $0x680;
	s22 =	simm.s32 $0x780  }
0x1cf: {  	s21 =	simm.s32 $0xE00;
	s20 =	simm.s32 $0xE80;
	s19 =	simm.s32 $0xF00  }
.LBB2_3:
.Ltmp4:
0x1d0: {  	(pc) =	sbr.rel .LBB2_6-.Ltmp4, $4  }
0x1d1: {  	s18 =	simm.s32 $0xC80;
	s28 =	simm.s32 $0xD00  }
0x1d2: {  	s26 =	simm.s32 $0xD80;
	s25 =	simm.s32 $0x600;
	s24 =	simm.s32 $0x700  }
0x1d3: {  	s23 =	simm.s32 $0x680;
	s22 =	simm.s32 $0x780;
	s21 =	simm.s32 $0xE00  }
0x1d4: {  	s20 =	simm.s32 $0xE80;
	s19 =	simm.s32 $0xF00;
	s17 =	stileid.u32  }
.Lfunc_end2:
_tile_overlayer_lowered:
.L_overlay_start_2:
0x1d5: {  	(tag) =	ssettag $0x2  }
0x1d6: {  	s0 =	rddreg [dreg:$0x0];
	s2 =	stileid.u32  }
0x1d7: {  	s1 =	rddreg [dreg:$0x1];
	p0 =	sne.s32 s2, $0x0  }
0x1d8: {  	s3 =	rddreg [dreg:$0x2];
	[bflag:$0x3] =	sbarrier.arrive $0xFFFF;
	s2 =	simm.s32 @!p0 $0x1C09  }
0x1d9: {  	[timem:s3], [sflag:s2] =	dma.local @!p0 [hbm:s0], s1  }
0x1da: {  	s0 =	simm.s32 @!p0 $0x9  }
0x1db: {  	_ =	swait.ge @!p0 [sflag:s0], s1  }
0x1dc: {  	s1 =	ssub.s32 @!p0 $0x0, s1;
	[sflag:s0] =	ssyncset.done @!p0 $0x0  }
0x1dd: {  	[sflag:s0] =	ssyncadd.s32 @!p0 s1  }
0x1de: {  	[bflag:$0x3] =	sbarrier.arrive $0xFFFF  }
0x1df: {  	_ =	shalt  }

</sc_bundles>
